<compile_context>
chip_gen: v7x
topology: tpu7x:2x2x1
jax: 0.10.2.dev20260603
libtpu: 0.0.44.dev20260713+nightly
codegen_flags: <defaults>
</compile_context>

<pallas_src>
import jax
import jax.numpy as jnp
from jax import lax
from jax.experimental import pallas as pl
from jax.experimental.pallas import tpu as pltpu
from jax.experimental.pallas import tpu_sc as plsc

H = 768
F = 256
E = 63
S = 2048
TM = 128
NT = S // TM
NSTEPS = NT + E - 1
NMETA = 128

SC_CORES = 2
SC_SUBCORES = 16
NW = SC_CORES * SC_SUBCORES
BPW = S // NW


def _router_meta_body(probs_ref, pos_ref, meta_ref):
    probs = probs_ref[:]

    mx = jnp.max(probs, axis=1, keepdims=True)
    ecol = lax.broadcasted_iota(jnp.int32, (S, E), 1)
    eid = jnp.min(jnp.where(probs == mx, ecol, E), axis=1, keepdims=True)
    onehot = (ecol == eid).astype(jnp.float32)

    tri = (lax.broadcasted_iota(jnp.int32, (256, 256), 0)
           >= lax.broadcasted_iota(jnp.int32, (256, 256), 1)).astype(jnp.float32)
    carry = jnp.zeros((1, E), jnp.float32)
    blocks = []
    for b in range(S // 256):
        blk = onehot[b * 256:(b + 1) * 256]
        cb = jnp.dot(tri, blk, preferred_element_type=jnp.float32) + carry
        carry = cb[255:256, :]
        blocks.append(cb)
    cum = jnp.concatenate(blocks, axis=0)
    counts = carry

    er = lax.broadcasted_iota(jnp.int32, (E, E), 0)
    ec = lax.broadcasted_iota(jnp.int32, (E, E), 1)
    lt = (er < ec).astype(jnp.float32)
    off = jnp.dot(counts, lt, preferred_element_type=jnp.float32,
                  precision=lax.Precision.HIGHEST)
    ends_g = off + counts

    pos = jnp.sum((off + cum - 1.0) * onehot, axis=1, keepdims=True)
    pos_ref[:] = pos.astype(jnp.int32)

    mrow = lax.broadcasted_iota(jnp.int32, (NT, E), 0).astype(jnp.float32)
    f_m = jnp.sum((ends_g <= mrow * TM).astype(jnp.float32),
                  axis=1, keepdims=True)
    l_m = jnp.sum((ends_g <= (mrow + 1.0) * TM - 1.0).astype(jnp.float32),
                  axis=1, keepdims=True)
    cnt = l_m - f_m + 1.0
    tri_nt = (lax.broadcasted_iota(jnp.int32, (NT, NT), 0)
              >= lax.broadcasted_iota(jnp.int32, (NT, NT), 1)).astype(jnp.float32)
    q_incl = jnp.dot(tri_nt, cnt, preferred_element_type=jnp.float32,
                     precision=lax.Precision.HIGHEST)
    q_excl = q_incl - cnt
    total = jnp.max(q_incl)
    l_last = jnp.max(l_m)

    icol = lax.broadcasted_iota(jnp.int32, (1, NMETA), 1).astype(jnp.float32)
    m_ids = jnp.sum((q_incl <= icol).astype(jnp.float32), axis=0, keepdims=True)
    m_ids = jnp.minimum(m_ids, float(NT - 1))
    m_prev = jnp.sum((q_incl <= icol - 1.0).astype(jnp.float32), axis=0,
                     keepdims=True)
    m_prev = jnp.minimum(m_prev, float(NT - 1))
    valid = icol < total

    msel = (lax.broadcasted_iota(jnp.int32, (NT, NMETA), 0).astype(jnp.float32)
            == m_ids).astype(jnp.float32)
    q_sel = jnp.sum(msel * q_excl, axis=0, keepdims=True)
    f_sel = jnp.sum(msel * f_m, axis=0, keepdims=True)
    e_raw = f_sel + (icol - q_sel)
    e_ids = jnp.where(valid, e_raw, l_last)
    e_ids = jnp.clip(e_ids, 0.0, float(E - 1))

    esel = (lax.broadcasted_iota(jnp.int32, (E, NMETA), 0).astype(jnp.float32)
            == e_ids).astype(jnp.float32)
    off_sel = jnp.dot(off, esel, preferred_element_type=jnp.float32,
                      precision=lax.Precision.HIGHEST)
    end_sel = jnp.dot(ends_g, esel, preferred_element_type=jnp.float32,
                      precision=lax.Precision.HIGHEST)
    starts = jnp.maximum(off_sel, m_ids * TM)
    ends = jnp.minimum(end_sel, (m_ids + 1.0) * TM)
    starts = jnp.where(valid, starts, 0.0)
    ends = jnp.where(valid, ends, 0.0)
    first = ((m_ids != m_prev) | (icol == 0.0)).astype(jnp.float32)

    zero = jnp.zeros((1, NMETA), jnp.float32)
    meta = jnp.concatenate(
        [m_ids, e_ids, starts, ends, first, zero, zero, zero], axis=0)
    meta_ref[:] = meta.astype(jnp.int32)


def _mlp_tile(x, wg, wu, wd):
    g = lax.dot_general(x, wg, (((1,), (1,)), ((), ())),
                        preferred_element_type=jnp.float32)
    u = lax.dot_general(x, wu, (((1,), (1,)), ((), ())),
                        preferred_element_type=jnp.float32)
    h = g * jax.nn.sigmoid(g) * u
    return lax.dot_general(h, wd, (((1,), (1,)), ((), ())),
                           preferred_element_type=jnp.float32)


def _gmm_body(meta_ref, xs_ref, wg_ref, wu_ref, wd_ref, sg_ref, su_ref,
              sd_ref, out_ref):
    i = pl.program_id(0)
    m = meta_ref[0, i]
    start = meta_ref[2, i]
    end = meta_ref[3, i]
    first = meta_ref[4, i]

    x = xs_ref[:]
    y = _mlp_tile(x, wg_ref[0], wu_ref[0], wd_ref[0])

    rows = m * TM + lax.broadcasted_iota(jnp.int32, (TM, 1), 0)
    mask = (rows >= start) & (rows < end)
    contrib = jnp.where(mask, y, 0.0)

    @pl.when(first == 1)
    def _init():
        out_ref[:] = contrib + _mlp_tile(x, sg_ref[:], su_ref[:], sd_ref[:])

    @pl.when(first == 0)
    def _acc():
        out_ref[:] = out_ref[:] + contrib


def _sc_scatter_body(x_hbm, pos_hbm, xs_hbm, idx_v, rows_v, sem, sem2):
    wid = lax.axis_index("s") * SC_CORES + lax.axis_index("c")
    base = wid * BPW
    cp_idx = pltpu.async_copy(pos_hbm.at[pl.ds(base, BPW)], idx_v, sem)
    cp_rows = pltpu.async_copy(x_hbm.at[pl.ds(base, BPW)], rows_v, sem2)
    cp_idx.wait()
    cp_rows.wait()
    pltpu.async_copy(rows_v, xs_hbm.at[idx_v], sem).wait()


def _sc_gather_body(ys_hbm, pos_hbm, y_hbm, idx_v, rows_v, sem):
    wid = lax.axis_index("s") * SC_CORES + lax.axis_index("c")
    base = wid * BPW
    pltpu.sync_copy(pos_hbm.at[pl.ds(base, BPW)], idx_v)
    pltpu.async_copy(ys_hbm.at[idx_v], rows_v, sem).wait()
    pltpu.sync_copy(rows_v, y_hbm.at[pl.ds(base, BPW)])


def kernel(x, shared_gate, shared_up, shared_down, routed_gate, routed_up,
           routed_down, router_w, routing_bias):
    xf = x.reshape(S, H)

    probs = jax.nn.sigmoid(x @ router_w.T + routing_bias).reshape(S, E)

    pos2, meta = pl.pallas_call(
        _router_meta_body,
        out_shape=(
            jax.ShapeDtypeStruct((S, 1), jnp.int32),
            jax.ShapeDtypeStruct((8, NMETA), jnp.int32),
        ),
    )(probs)
    pos = pos2.reshape(S)

    mesh = plsc.VectorSubcoreMesh(core_axis_name="c", subcore_axis_name="s")
    x_sorted = pl.kernel(
        _sc_scatter_body,
        out_type=jax.ShapeDtypeStruct((S, H), jnp.float32),
        mesh=mesh,
        scratch_types=[
            pltpu.VMEM((BPW,), jnp.int32),
            pltpu.VMEM((BPW, H), jnp.float32),
            pltpu.SemaphoreType.DMA,
            pltpu.SemaphoreType.DMA,
        ],
    )(xf, pos)

    grid_spec = pltpu.PrefetchScalarGridSpec(
        num_scalar_prefetch=1,
        grid=(NSTEPS,),
        in_specs=[
            pl.BlockSpec((TM, H), lambda i, meta: (meta[0, i], 0)),
            pl.BlockSpec((1, F, H), lambda i, meta: (meta[1, i], 0, 0)),
            pl.BlockSpec((1, F, H), lambda i, meta: (meta[1, i], 0, 0)),
            pl.BlockSpec((1, H, F), lambda i, meta: (meta[1, i], 0, 0)),
            pl.BlockSpec((F, H), lambda i, meta: (0, 0)),
            pl.BlockSpec((F, H), lambda i, meta: (0, 0)),
            pl.BlockSpec((H, F), lambda i, meta: (0, 0)),
        ],
        out_specs=pl.BlockSpec((TM, H), lambda i, meta: (meta[0, i], 0)),
    )
    y_sorted = pl.pallas_call(
        _gmm_body,
        grid_spec=grid_spec,
        out_shape=jax.ShapeDtypeStruct((S, H), jnp.float32),
        compiler_params=pltpu.CompilerParams(
            dimension_semantics=("arbitrary",)),
    )(meta, x_sorted, routed_gate, routed_up, routed_down,
      shared_gate, shared_up, shared_down)

    out = pl.kernel(
        _sc_gather_body,
        out_type=jax.ShapeDtypeStruct((S, H), jnp.float32),
        mesh=mesh,
        scratch_types=[
            pltpu.VMEM((BPW,), jnp.int32),
            pltpu.VMEM((BPW, H), jnp.float32),
            pltpu.SemaphoreType.DMA,
        ],
    )(y_sorted, pos)

    return out.reshape(1, S, H)

# --- scband reference (transcript-rebuilt; emitter-appended) ---
"""Pipeline reference for scband-deep-seek-mo-e-46359876993614 (READ-ONLY COPY).

The authoritative reference and input builder live on the scoring server;
editing this copy changes nothing except your own understanding.
"""

import jax, jax.numpy as jnp
import numpy as np

H = 768
F = 256
E_ROUTED = 63  # num_experts - num_shared_experts
TOPK = 1
B, S = 1, 2048


def _mlp(x, wg, wu, wd):
    # nn.Linear weights are [out, in]; y = x @ W.T
    g = x @ wg.T
    u = x @ wu.T
    return (jax.nn.silu(g) * u) @ wd.T


def setup_inputs(seed: int = 0) -> dict:
    key = jax.random.key(seed)
    ks = jax.random.split(key, 9)
    x = jax.random.normal(ks[0], (B, S, H), dtype=jnp.float32)
    shared_gate = jax.random.normal(ks[1], (F, H), dtype=jnp.float32) * 0.02
    shared_up = jax.random.normal(ks[2], (F, H), dtype=jnp.float32) * 0.02
    shared_down = jax.random.normal(ks[3], (H, F), dtype=jnp.float32) * 0.02
    routed_gate = jax.random.normal(ks[4], (E_ROUTED, F, H), dtype=jnp.float32) * 0.02
    routed_up = jax.random.normal(ks[5], (E_ROUTED, F, H), dtype=jnp.float32) * 0.02
    routed_down = jax.random.normal(ks[6], (E_ROUTED, H, F), dtype=jnp.float32) * 0.02
    router_w = jax.random.normal(ks[7], (E_ROUTED, H), dtype=jnp.float32) * 0.02
    routing_bias = jnp.zeros((E_ROUTED,), dtype=jnp.float32)
    return {
        "x": x,
        "shared_gate": shared_gate,
        "shared_up": shared_up,
        "shared_down": shared_down,
        "routed_gate": routed_gate,
        "routed_up": routed_up,
        "routed_down": routed_down,
        "router_w": router_w,
        "routing_bias": routing_bias,
    }


def reference(x, shared_gate, shared_up, shared_down, routed_gate, routed_up, routed_down, router_w, routing_bias):
    # shared experts (num_shared_experts = 1, so no division)
    shared_output = _mlp(x, shared_gate, shared_up, shared_down)

    # router
    routing_logits = x @ router_w.T + routing_bias
    routing_probs = jax.nn.sigmoid(routing_logits)
    scores, indices = jax.lax.top_k(routing_probs, TOPK)
    scores = scores / jnp.sum(scores, axis=-1, keepdims=True)

    # routed experts: mathematically identical to the torch masked-gather loop;
    # weight_i = sum_k scores[..., k] * 1[indices[..., k] == i]
    combined_output = jnp.zeros_like(x)
    for i in range(E_ROUTED):
        w_i = jnp.sum(scores * (indices == i).astype(scores.dtype), axis=-1)  # [B, S]
        out_i = _mlp(x, routed_gate[i], routed_up[i], routed_down[i])
        combined_output = combined_output + w_i[..., None] * out_i

    return combined_output + shared_output

if __name__ == "__main__":
    import jax
    _d = setup_inputs()
    print(jax.jit(kernel)(*tuple(_d.values())))

</pallas_src>

<mosaic_0001>
#map = affine_map<(d0, d1) -> (0, 0)>
#map1 = affine_map<(d0, d1) -> (0)>
module attributes {stable_mosaic.version = 14 : i64} {
  func.func @_sc_gather_body(%arg0: i32, %arg1: i32, %arg2: memref<2048x768xf32, #tpu.memory_space<hbm>>, %arg3: memref<2048xi32, #tpu.memory_space<hbm>>, %arg4: memref<2048x768xf32, #tpu.memory_space<hbm>>, %arg5: memref<64xi32, #tpu.memory_space<vmem>>, %arg6: memref<64x768xf32, #tpu.memory_space<vmem>>, %arg7: memref<!tpu.dma_semaphore, #tpu.memory_space<semaphore_mem>>) attributes {dimension_semantics = [#tpu.dimension_semantics<core_parallel>, #tpu.dimension_semantics<subcore_parallel>], iteration_bounds = array<i64: 2, 16>, scalar_prefetch = 0 : i64, scratch_operands = 3 : i64, tpu.core_type = #tpu.core_type<sc_vector_subcore>, window_params = [{transform_indices = #map}, {transform_indices = #map1}, {transform_indices = #map}]} {
    %mul3A = arith.constant 2 : i32
    %mul3A_0 = arith.muli %arg1, %mul3A : i32
    %add3A = arith.addi %mul3A_0, %arg0 : i32
    %mul3A_1 = arith.constant 64 : i32
    %mul3A_2 = arith.muli %add3A, %mul3A_1 : i32
    "tpu.region"() ({
      %run_scoped3A = tpu.sem_alloc : memref<!tpu.dma_semaphore, #tpu.memory_space<semaphore_mem>>
      %dma_start3A_7 = tpu.memref_slice %arg3[%mul3A_2] : memref<2048xi32, #tpu.memory_space<hbm>> -> memref<64xi32, #tpu.memory_space<hbm>>
      %dma_start3A_8 = tpu.memref_slice %arg3[%mul3A_2] : memref<2048xi32, #tpu.memory_space<hbm>> -> memref<64xi32, #tpu.memory_space<hbm>>
      tpu.enqueue_dma source(%dma_start3A_8 : memref<64xi32, #tpu.memory_space<hbm>>) target(%arg5 : memref<64xi32, #tpu.memory_space<vmem>>) target_semaphore(%run_scoped3A : memref<!tpu.dma_semaphore, #tpu.memory_space<semaphore_mem>>)
      %dma_wait3A_9 = tpu.memref_slice %arg3[%mul3A_2] : memref<2048xi32, #tpu.memory_space<hbm>> -> memref<64xi32, #tpu.memory_space<hbm>>
      %dma_wait3A_10 = tpu.memref_slice %arg3[%mul3A_2] : memref<2048xi32, #tpu.memory_space<hbm>> -> memref<64xi32, #tpu.memory_space<hbm>>
      tpu.wait_dma2 semaphore(%run_scoped3A : memref<!tpu.dma_semaphore, #tpu.memory_space<semaphore_mem>>) src(%dma_wait3A_10 : memref<64xi32, #tpu.memory_space<hbm>>) dst(%arg5 : memref<64xi32, #tpu.memory_space<vmem>>)
      tpu.yield
    }) : () -> ()
    %dma_start3A = arith.constant 0 : i32
    %dma_start3A_3 = arith.constant 0 : i32
    %dma_start3A_4 = tpu.memref_slice %arg2[%dma_start3A, %dma_start3A_3] : memref<2048x768xf32, #tpu.memory_space<hbm>> -> memref<2048x768xf32, #tpu.memory_space<hbm>>
    tpu.enqueue_indirect_dma source(%dma_start3A_4 : memref<2048x768xf32, #tpu.memory_space<hbm>>) target(%arg6 : memref<64x768xf32, #tpu.memory_space<vmem>>) offsets(%arg5 : memref<64xi32, #tpu.memory_space<vmem>>) semaphore(%arg7 : memref<!tpu.dma_semaphore, #tpu.memory_space<semaphore_mem>>)
    %dma_wait3A = arith.constant 0 : i32
    %dma_wait3A_5 = arith.constant 0 : i32
    %dma_wait3A_6 = tpu.memref_slice %arg2[%dma_wait3A, %dma_wait3A_5] : memref<2048x768xf32, #tpu.memory_space<hbm>> -> memref<2048x768xf32, #tpu.memory_space<hbm>>
    tpu.wait_indirect_dma semaphore(%arg7 : memref<!tpu.dma_semaphore, #tpu.memory_space<semaphore_mem>>) src(%dma_wait3A_6 : memref<2048x768xf32, #tpu.memory_space<hbm>>) dst(%arg6 : memref<64x768xf32, #tpu.memory_space<vmem>>)
    "tpu.region"() ({
      %run_scoped3A = tpu.sem_alloc : memref<!tpu.dma_semaphore, #tpu.memory_space<semaphore_mem>>
      %dma_start3A_7 = arith.constant 0 : i32
      %dma_start3A_8 = tpu.memref_slice %arg4[%mul3A_2, %dma_start3A_7] : memref<2048x768xf32, #tpu.memory_space<hbm>> -> memref<64x768xf32, #tpu.memory_space<hbm>>
      %dma_start3A_9 = arith.constant 0 : i32
      %dma_start3A_10 = tpu.memref_slice %arg4[%mul3A_2, %dma_start3A_9] : memref<2048x768xf32, #tpu.memory_space<hbm>> -> memref<64x768xf32, #tpu.memory_space<hbm>>
      tpu.enqueue_dma source(%arg6 : memref<64x768xf32, #tpu.memory_space<vmem>>) target(%dma_start3A_10 : memref<64x768xf32, #tpu.memory_space<hbm>>) target_semaphore(%run_scoped3A : memref<!tpu.dma_semaphore, #tpu.memory_space<semaphore_mem>>)
      %dma_wait3A_11 = arith.constant 0 : i32
      %dma_wait3A_12 = tpu.memref_slice %arg4[%mul3A_2, %dma_wait3A_11] : memref<2048x768xf32, #tpu.memory_space<hbm>> -> memref<64x768xf32, #tpu.memory_space<hbm>>
      %dma_wait3A_13 = arith.constant 0 : i32
      %dma_wait3A_14 = tpu.memref_slice %arg4[%mul3A_2, %dma_wait3A_13] : memref<2048x768xf32, #tpu.memory_space<hbm>> -> memref<64x768xf32, #tpu.memory_space<hbm>>
      tpu.wait_dma2 semaphore(%run_scoped3A : memref<!tpu.dma_semaphore, #tpu.memory_space<semaphore_mem>>) src(%arg6 : memref<64x768xf32, #tpu.memory_space<vmem>>) dst(%dma_wait3A_14 : memref<64x768xf32, #tpu.memory_space<hbm>>)
      tpu.yield
    }) : () -> ()
    return
  }
}

#map = affine_map<(d0, d1) -> (0, 0)>
#map1 = affine_map<(d0, d1) -> (0)>
module attributes {stable_mosaic.version = 14 : i64} {
  func.func @_sc_scatter_body(%arg0: i32, %arg1: i32, %arg2: memref<2048x768xf32, #tpu.memory_space<hbm>>, %arg3: memref<2048xi32, #tpu.memory_space<hbm>>, %arg4: memref<2048x768xf32, #tpu.memory_space<hbm>>, %arg5: memref<64xi32, #tpu.memory_space<vmem>>, %arg6: memref<64x768xf32, #tpu.memory_space<vmem>>, %arg7: memref<!tpu.dma_semaphore, #tpu.memory_space<semaphore_mem>>, %arg8: memref<!tpu.dma_semaphore, #tpu.memory_space<semaphore_mem>>) attributes {dimension_semantics = [#tpu.dimension_semantics<core_parallel>, #tpu.dimension_semantics<subcore_parallel>], iteration_bounds = array<i64: 2, 16>, scalar_prefetch = 0 : i64, scratch_operands = 4 : i64, tpu.core_type = #tpu.core_type<sc_vector_subcore>, window_params = [{transform_indices = #map}, {transform_indices = #map1}, {transform_indices = #map}]} {
    %mul3A = arith.constant 2 : i32
    %mul3A_0 = arith.muli %arg1, %mul3A : i32
    %add3A = arith.addi %mul3A_0, %arg0 : i32
    %mul3A_1 = arith.constant 64 : i32
    %mul3A_2 = arith.muli %add3A, %mul3A_1 : i32
    %dma_start3A = tpu.memref_slice %arg3[%mul3A_2] : memref<2048xi32, #tpu.memory_space<hbm>> -> memref<64xi32, #tpu.memory_space<hbm>>
    %dma_start3A_3 = tpu.memref_slice %arg3[%mul3A_2] : memref<2048xi32, #tpu.memory_space<hbm>> -> memref<64xi32, #tpu.memory_space<hbm>>
    tpu.enqueue_dma source(%dma_start3A_3 : memref<64xi32, #tpu.memory_space<hbm>>) target(%arg5 : memref<64xi32, #tpu.memory_space<vmem>>) target_semaphore(%arg7 : memref<!tpu.dma_semaphore, #tpu.memory_space<semaphore_mem>>)
    %dma_start3A_4 = arith.constant 0 : i32
    %dma_start3A_5 = tpu.memref_slice %arg2[%mul3A_2, %dma_start3A_4] : memref<2048x768xf32, #tpu.memory_space<hbm>> -> memref<64x768xf32, #tpu.memory_space<hbm>>
    %dma_start3A_6 = arith.constant 0 : i32
    %dma_start3A_7 = tpu.memref_slice %arg2[%mul3A_2, %dma_start3A_6] : memref<2048x768xf32, #tpu.memory_space<hbm>> -> memref<64x768xf32, #tpu.memory_space<hbm>>
    tpu.enqueue_dma source(%dma_start3A_7 : memref<64x768xf32, #tpu.memory_space<hbm>>) target(%arg6 : memref<64x768xf32, #tpu.memory_space<vmem>>) target_semaphore(%arg8 : memref<!tpu.dma_semaphore, #tpu.memory_space<semaphore_mem>>)
    %dma_wait3A = tpu.memref_slice %arg3[%mul3A_2] : memref<2048xi32, #tpu.memory_space<hbm>> -> memref<64xi32, #tpu.memory_space<hbm>>
    %dma_wait3A_8 = tpu.memref_slice %arg3[%mul3A_2] : memref<2048xi32, #tpu.memory_space<hbm>> -> memref<64xi32, #tpu.memory_space<hbm>>
    tpu.wait_dma2 semaphore(%arg7 : memref<!tpu.dma_semaphore, #tpu.memory_space<semaphore_mem>>) src(%dma_wait3A_8 : memref<64xi32, #tpu.memory_space<hbm>>) dst(%arg5 : memref<64xi32, #tpu.memory_space<vmem>>)
    %dma_wait3A_9 = arith.constant 0 : i32
    %dma_wait3A_10 = tpu.memref_slice %arg2[%mul3A_2, %dma_wait3A_9] : memref<2048x768xf32, #tpu.memory_space<hbm>> -> memref<64x768xf32, #tpu.memory_space<hbm>>
    %dma_wait3A_11 = arith.constant 0 : i32
    %dma_wait3A_12 = tpu.memref_slice %arg2[%mul3A_2, %dma_wait3A_11] : memref<2048x768xf32, #tpu.memory_space<hbm>> -> memref<64x768xf32, #tpu.memory_space<hbm>>
    tpu.wait_dma2 semaphore(%arg8 : memref<!tpu.dma_semaphore, #tpu.memory_space<semaphore_mem>>) src(%dma_wait3A_12 : memref<64x768xf32, #tpu.memory_space<hbm>>) dst(%arg6 : memref<64x768xf32, #tpu.memory_space<vmem>>)
    %dma_start3A_13 = arith.constant 0 : i32
    %dma_start3A_14 = arith.constant 0 : i32
    %dma_start3A_15 = tpu.memref_slice %arg4[%dma_start3A_13, %dma_start3A_14] : memref<2048x768xf32, #tpu.memory_space<hbm>> -> memref<2048x768xf32, #tpu.memory_space<hbm>>
    tpu.enqueue_indirect_dma source(%arg6 : memref<64x768xf32, #tpu.memory_space<vmem>>) target(%dma_start3A_15 : memref<2048x768xf32, #tpu.memory_space<hbm>>) offsets(%arg5 : memref<64xi32, #tpu.memory_space<vmem>>) semaphore(%arg7 : memref<!tpu.dma_semaphore, #tpu.memory_space<semaphore_mem>>)
    %dma_wait3A_16 = arith.constant 0 : i32
    %dma_wait3A_17 = arith.constant 0 : i32
    %dma_wait3A_18 = tpu.memref_slice %arg4[%dma_wait3A_16, %dma_wait3A_17] : memref<2048x768xf32, #tpu.memory_space<hbm>> -> memref<2048x768xf32, #tpu.memory_space<hbm>>
    tpu.wait_indirect_dma semaphore(%arg7 : memref<!tpu.dma_semaphore, #tpu.memory_space<semaphore_mem>>) src(%arg6 : memref<64x768xf32, #tpu.memory_space<vmem>>) dst(%dma_wait3A_18 : memref<2048x768xf32, #tpu.memory_space<hbm>>)
    return
  }
}

module attributes {stable_mosaic.version = 14 : i64} {
  func.func @_router_meta_body(%arg0: memref<2048x63xf32, #tpu.memory_space<vmem>>, %arg1: memref<2048x1xi32, #tpu.memory_space<vmem>>, %arg2: memref<8x128xi32, #tpu.memory_space<vmem>>) attributes {dimension_semantics = [], scalar_prefetch = 0 : i64, scratch_operands = 0 : i64, tpu.core_type = #tpu.core_type<tc>} {
    %get3A = arith.constant 0 : index
    %get3A_0 = arith.constant 0 : index
    %get3A_1 = vector.load %arg0[%get3A, %get3A_0] : memref<2048x63xf32, #tpu.memory_space<vmem>>, vector<2048x63xf32>
    %reduce_max3A = arith.constant dense<0xFF800000> : vector<2048xf32>
    %reduce_max3A_2 = vector.multi_reduction <maximumf>, %get3A_1, %reduce_max3A [1] : vector<2048x63xf32> to vector<2048xf32>
    %broadcast_in_dim3A = vector.shape_cast %reduce_max3A_2 : vector<2048xf32> to vector<2048x1xf32>
    %iota3A = tpu.iota {dimensions = array<i32: 1>} : vector<2048x63xi32>
    %eq3A = vector.broadcast %broadcast_in_dim3A : vector<2048x1xf32> to vector<2048x63xf32>
    %eq3A_3 = arith.cmpf oeq, %get3A_1, %eq3A : vector<2048x63xf32>
    %jit3A = arith.constant 63 : i32
    %broadcast_in_dim3A_4 = vector.broadcast %jit3A : i32 to vector<2048x63xi32>
    %select_n3A = arith.select %eq3A_3, %iota3A, %broadcast_in_dim3A_4 : vector<2048x63xi1>, vector<2048x63xi32>
    %reduce_min3A = arith.constant dense<2147483647> : vector<2048xi32>
    %reduce_min3A_5 = vector.multi_reduction <minsi>, %select_n3A, %reduce_min3A [1] : vector<2048x63xi32> to vector<2048xi32>
    %broadcast_in_dim3A_6 = vector.shape_cast %reduce_min3A_5 : vector<2048xi32> to vector<2048x1xi32>
    %eq3A_7 = vector.broadcast %broadcast_in_dim3A_6 : vector<2048x1xi32> to vector<2048x63xi32>
    %eq3A_8 = arith.cmpi eq, %iota3A, %eq3A_7 : vector<2048x63xi32>
    %convert_element_type3A = arith.extui %eq3A_8 : vector<2048x63xi1> to vector<2048x63xi32>
    %convert_element_type3A_9 = arith.sitofp %convert_element_type3A : vector<2048x63xi32> to vector<2048x63xf32>
    %iota3A_10 = tpu.iota {dimensions = array<i32: 0>} : vector<256x256xi32>
    %iota3A_11 = tpu.iota {dimensions = array<i32: 1>} : vector<256x256xi32>
    %ge3A = arith.cmpi sge, %iota3A_10, %iota3A_11 : vector<256x256xi32>
    %convert_element_type3A_12 = arith.extui %ge3A : vector<256x256xi1> to vector<256x256xi32>
    %convert_element_type3A_13 = arith.sitofp %convert_element_type3A_12 : vector<256x256xi32> to vector<256x256xf32>
    %broadcast_in_dim3A_14 = arith.constant 0.000000e+00 : f32
    %broadcast_in_dim3A_15 = vector.broadcast %broadcast_in_dim3A_14 : f32 to vector<1x63xf32>
    %slice3A = vector.extract_strided_slice %convert_element_type3A_9 {offsets = [0, 0], sizes = [256, 63], strides = [1, 1]} : vector<2048x63xf32> to vector<256x63xf32>
    %dot_general3A = arith.constant dense<0.000000e+00> : vector<256x63xf32>
    %dot_general3A_16 = tpu.matmul %convert_element_type3A_13, %slice3A, %dot_general3A {dimension_numbers = #tpu.dot_dimension_numbers<[1], [0], [0], [1], [0, 0, 1, 1], [], []>, transpose_lhs_hint = false} : vector<256x256xf32>, vector<256x63xf32>, vector<256x63xf32> -> vector<256x63xf32>
    %add3A = vector.broadcast %broadcast_in_dim3A_15 : vector<1x63xf32> to vector<256x63xf32>
    %add3A_17 = arith.addf %dot_general3A_16, %add3A : vector<256x63xf32>
    %slice3A_18 = vector.extract_strided_slice %add3A_17 {offsets = [255, 0], sizes = [1, 63], strides = [1, 1]} : vector<256x63xf32> to vector<1x63xf32>
    %slice3A_19 = vector.extract_strided_slice %convert_element_type3A_9 {offsets = [256, 0], sizes = [256, 63], strides = [1, 1]} : vector<2048x63xf32> to vector<256x63xf32>
    %dot_general3A_20 = arith.constant dense<0.000000e+00> : vector<256x63xf32>
    %dot_general3A_21 = tpu.matmul %convert_element_type3A_13, %slice3A_19, %dot_general3A_20 {dimension_numbers = #tpu.dot_dimension_numbers<[1], [0], [0], [1], [0, 0, 1, 1], [], []>, transpose_lhs_hint = false} : vector<256x256xf32>, vector<256x63xf32>, vector<256x63xf32> -> vector<256x63xf32>
    %add3A_22 = vector.broadcast %slice3A_18 : vector<1x63xf32> to vector<256x63xf32>
    %add3A_23 = arith.addf %dot_general3A_21, %add3A_22 : vector<256x63xf32>
    %slice3A_24 = vector.extract_strided_slice %add3A_23 {offsets = [255, 0], sizes = [1, 63], strides = [1, 1]} : vector<256x63xf32> to vector<1x63xf32>
    %slice3A_25 = vector.extract_strided_slice %convert_element_type3A_9 {offsets = [512, 0], sizes = [256, 63], strides = [1, 1]} : vector<2048x63xf32> to vector<256x63xf32>
    %dot_general3A_26 = arith.constant dense<0.000000e+00> : vector<256x63xf32>
    %dot_general3A_27 = tpu.matmul %convert_element_type3A_13, %slice3A_25, %dot_general3A_26 {dimension_numbers = #tpu.dot_dimension_numbers<[1], [0], [0], [1], [0, 0, 1, 1], [], []>, transpose_lhs_hint = false} : vector<256x256xf32>, vector<256x63xf32>, vector<256x63xf32> -> vector<256x63xf32>
    %add3A_28 = vector.broadcast %slice3A_24 : vector<1x63xf32> to vector<256x63xf32>
    %add3A_29 = arith.addf %dot_general3A_27, %add3A_28 : vector<256x63xf32>
    %slice3A_30 = vector.extract_strided_slice %add3A_29 {offsets = [255, 0], sizes = [1, 63], strides = [1, 1]} : vector<256x63xf32> to vector<1x63xf32>
    %slice3A_31 = vector.extract_strided_slice %convert_element_type3A_9 {offsets = [768, 0], sizes = [256, 63], strides = [1, 1]} : vector<2048x63xf32> to vector<256x63xf32>
    %dot_general3A_32 = arith.constant dense<0.000000e+00> : vector<256x63xf32>
    %dot_general3A_33 = tpu.matmul %convert_element_type3A_13, %slice3A_31, %dot_general3A_32 {dimension_numbers = #tpu.dot_dimension_numbers<[1], [0], [0], [1], [0, 0, 1, 1], [], []>, transpose_lhs_hint = false} : vector<256x256xf32>, vector<256x63xf32>, vector<256x63xf32> -> vector<256x63xf32>
    %add3A_34 = vector.broadcast %slice3A_30 : vector<1x63xf32> to vector<256x63xf32>
    %add3A_35 = arith.addf %dot_general3A_33, %add3A_34 : vector<256x63xf32>
    %slice3A_36 = vector.extract_strided_slice %add3A_35 {offsets = [255, 0], sizes = [1, 63], strides = [1, 1]} : vector<256x63xf32> to vector<1x63xf32>
    %slice3A_37 = vector.extract_strided_slice %convert_element_type3A_9 {offsets = [1024, 0], sizes = [256, 63], strides = [1, 1]} : vector<2048x63xf32> to vector<256x63xf32>
    %dot_general3A_38 = arith.constant dense<0.000000e+00> : vector<256x63xf32>
    %dot_general3A_39 = tpu.matmul %convert_element_type3A_13, %slice3A_37, %dot_general3A_38 {dimension_numbers = #tpu.dot_dimension_numbers<[1], [0], [0], [1], [0, 0, 1, 1], [], []>, transpose_lhs_hint = false} : vector<256x256xf32>, vector<256x63xf32>, vector<256x63xf32> -> vector<256x63xf32>
    %add3A_40 = vector.broadcast %slice3A_36 : vector<1x63xf32> to vector<256x63xf32>
    %add3A_41 = arith.addf %dot_general3A_39, %add3A_40 : vector<256x63xf32>
    %slice3A_42 = vector.extract_strided_slice %add3A_41 {offsets = [255, 0], sizes = [1, 63], strides = [1, 1]} : vector<256x63xf32> to vector<1x63xf32>
    %slice3A_43 = vector.extract_strided_slice %convert_element_type3A_9 {offsets = [1280, 0], sizes = [256, 63], strides = [1, 1]} : vector<2048x63xf32> to vector<256x63xf32>
    %dot_general3A_44 = arith.constant dense<0.000000e+00> : vector<256x63xf32>
    %dot_general3A_45 = tpu.matmul %convert_element_type3A_13, %slice3A_43, %dot_general3A_44 {dimension_numbers = #tpu.dot_dimension_numbers<[1], [0], [0], [1], [0, 0, 1, 1], [], []>, transpose_lhs_hint = false} : vector<256x256xf32>, vector<256x63xf32>, vector<256x63xf32> -> vector<256x63xf32>
    %add3A_46 = vector.broadcast %slice3A_42 : vector<1x63xf32> to vector<256x63xf32>
    %add3A_47 = arith.addf %dot_general3A_45, %add3A_46 : vector<256x63xf32>
    %slice3A_48 = vector.extract_strided_slice %add3A_47 {offsets = [255, 0], sizes = [1, 63], strides = [1, 1]} : vector<256x63xf32> to vector<1x63xf32>
    %slice3A_49 = vector.extract_strided_slice %convert_element_type3A_9 {offsets = [1536, 0], sizes = [256, 63], strides = [1, 1]} : vector<2048x63xf32> to vector<256x63xf32>
    %dot_general3A_50 = arith.constant dense<0.000000e+00> : vector<256x63xf32>
    %dot_general3A_51 = tpu.matmul %convert_element_type3A_13, %slice3A_49, %dot_general3A_50 {dimension_numbers = #tpu.dot_dimension_numbers<[1], [0], [0], [1], [0, 0, 1, 1], [], []>, transpose_lhs_hint = false} : vector<256x256xf32>, vector<256x63xf32>, vector<256x63xf32> -> vector<256x63xf32>
    %add3A_52 = vector.broadcast %slice3A_48 : vector<1x63xf32> to vector<256x63xf32>
    %add3A_53 = arith.addf %dot_general3A_51, %add3A_52 : vector<256x63xf32>
    %slice3A_54 = vector.extract_strided_slice %add3A_53 {offsets = [255, 0], sizes = [1, 63], strides = [1, 1]} : vector<256x63xf32> to vector<1x63xf32>
    %slice3A_55 = vector.extract_strided_slice %convert_element_type3A_9 {offsets = [1792, 0], sizes = [256, 63], strides = [1, 1]} : vector<2048x63xf32> to vector<256x63xf32>
    %dot_general3A_56 = arith.constant dense<0.000000e+00> : vector<256x63xf32>
    %dot_general3A_57 = tpu.matmul %convert_element_type3A_13, %slice3A_55, %dot_general3A_56 {dimension_numbers = #tpu.dot_dimension_numbers<[1], [0], [0], [1], [0, 0, 1, 1], [], []>, transpose_lhs_hint = false} : vector<256x256xf32>, vector<256x63xf32>, vector<256x63xf32> -> vector<256x63xf32>
    %add3A_58 = vector.broadcast %slice3A_54 : vector<1x63xf32> to vector<256x63xf32>
    %add3A_59 = arith.addf %dot_general3A_57, %add3A_58 : vector<256x63xf32>
    %slice3A_60 = vector.extract_strided_slice %add3A_59 {offsets = [255, 0], sizes = [1, 63], strides = [1, 1]} : vector<256x63xf32> to vector<1x63xf32>
    %concatenate3A = tpu.concatenate %add3A_17, %add3A_23, %add3A_29, %add3A_35, %add3A_41, %add3A_47, %add3A_53, %add3A_59 in 0 : vector<256x63xf32>, vector<256x63xf32>, vector<256x63xf32>, vector<256x63xf32>, vector<256x63xf32>, vector<256x63xf32>, vector<256x63xf32>, vector<256x63xf32> -> vector<2048x63xf32>
    %iota3A_61 = tpu.iota {dimensions = array<i32: 0>} : vector<63x63xi32>
    %iota3A_62 = tpu.iota {dimensions = array<i32: 1>} : vector<63x63xi32>
    %lt3A = arith.cmpi slt, %iota3A_61, %iota3A_62 : vector<63x63xi32>
    %convert_element_type3A_63 = arith.extui %lt3A : vector<63x63xi1> to vector<63x63xi32>
    %convert_element_type3A_64 = arith.sitofp %convert_element_type3A_63 : vector<63x63xi32> to vector<63x63xf32>
    %dot_general3A_65 = arith.constant dense<0.000000e+00> : vector<1x63xf32>
    %dot_general3A_66 = tpu.matmul %slice3A_60, %convert_element_type3A_64, %dot_general3A_65 {dimension_numbers = #tpu.dot_dimension_numbers<[1], [0], [0], [1], [0, 0, 1, 1], [], []>, precision = #tpu.contract_precision<fp32>, transpose_lhs_hint = false} : vector<1x63xf32>, vector<63x63xf32>, vector<1x63xf32> -> vector<1x63xf32>
    %add3A_67 = arith.addf %dot_general3A_66, %slice3A_60 : vector<1x63xf32>
    %add3A_68 = vector.broadcast %dot_general3A_66 : vector<1x63xf32> to vector<2048x63xf32>
    %add3A_69 = arith.addf %add3A_68, %concatenate3A : vector<2048x63xf32>
    %sub3A = arith.constant 1.000000e+00 : f32
    %sub3A_70 = vector.broadcast %sub3A : f32 to vector<2048x63xf32>
    %sub3A_71 = arith.subf %add3A_69, %sub3A_70 : vector<2048x63xf32>
    %mul3A = arith.mulf %sub3A_71, %convert_element_type3A_9 : vector<2048x63xf32>
    %reduce_sum3A = arith.constant dense<0.000000e+00> : vector<2048xf32>
    %reduce_sum3A_72 = vector.multi_reduction <add>, %mul3A, %reduce_sum3A [1] : vector<2048x63xf32> to vector<2048xf32>
    %broadcast_in_dim3A_73 = vector.shape_cast %reduce_sum3A_72 : vector<2048xf32> to vector<2048x1xf32>
    %convert_element_type3A_74 = arith.fptosi %broadcast_in_dim3A_73 : vector<2048x1xf32> to vector<2048x1xi32>
    %swap3A = arith.constant 0 : index
    %swap3A_75 = arith.constant 0 : index
    %swap3A_76 = vector.load %arg1[%swap3A, %swap3A_75] : memref<2048x1xi32, #tpu.memory_space<vmem>>, vector<2048x1xi32>
    tpu.vector_store %arg1[%swap3A, %swap3A_75], %convert_element_type3A_74 {strides = array<i32>} : memref<2048x1xi32, #tpu.memory_space<vmem>>, vector<2048x1xi32>,
    %iota3A_77 = tpu.iota {dimensions = array<i32: 0>} : vector<16x63xi32>
    %convert_element_type3A_78 = arith.sitofp %iota3A_77 : vector<16x63xi32> to vector<16x63xf32>
    %mul3A_79 = arith.constant 1.280000e+02 : f32
    %mul3A_80 = vector.broadcast %mul3A_79 : f32 to vector<16x63xf32>
    %mul3A_81 = arith.mulf %convert_element_type3A_78, %mul3A_80 : vector<16x63xf32>
    %le3A = vector.broadcast %add3A_67 : vector<1x63xf32> to vector<16x63xf32>
    %le3A_82 = arith.cmpf ole, %le3A, %mul3A_81 : vector<16x63xf32>
    %convert_element_type3A_83 = arith.extui %le3A_82 : vector<16x63xi1> to vector<16x63xi32>
    %convert_element_type3A_84 = arith.sitofp %convert_element_type3A_83 : vector<16x63xi32> to vector<16x63xf32>
    %reduce_sum3A_85 = arith.constant dense<0.000000e+00> : vector<16xf32>
    %reduce_sum3A_86 = vector.multi_reduction <add>, %convert_element_type3A_84, %reduce_sum3A_85 [1] : vector<16x63xf32> to vector<16xf32>
    %broadcast_in_dim3A_87 = vector.shape_cast %reduce_sum3A_86 : vector<16xf32> to vector<16x1xf32>
    %add3A_88 = arith.constant 1.000000e+00 : f32
    %add3A_89 = vector.broadcast %add3A_88 : f32 to vector<16x63xf32>
    %add3A_90 = arith.addf %convert_element_type3A_78, %add3A_89 : vector<16x63xf32>
    %mul3A_91 = arith.constant 1.280000e+02 : f32
    %mul3A_92 = vector.broadcast %mul3A_91 : f32 to vector<16x63xf32>
    %mul3A_93 = arith.mulf %add3A_90, %mul3A_92 : vector<16x63xf32>
    %sub3A_94 = arith.constant 1.000000e+00 : f32
    %sub3A_95 = vector.broadcast %sub3A_94 : f32 to vector<16x63xf32>
    %sub3A_96 = arith.subf %mul3A_93, %sub3A_95 : vector<16x63xf32>
    %le3A_97 = vector.broadcast %add3A_67 : vector<1x63xf32> to vector<16x63xf32>
    %le3A_98 = arith.cmpf ole, %le3A_97, %sub3A_96 : vector<16x63xf32>
    %convert_element_type3A_99 = arith.extui %le3A_98 : vector<16x63xi1> to vector<16x63xi32>
    %convert_element_type3A_100 = arith.sitofp %convert_element_type3A_99 : vector<16x63xi32> to vector<16x63xf32>
    %reduce_sum3A_101 = arith.constant dense<0.000000e+00> : vector<16xf32>
    %reduce_sum3A_102 = vector.multi_reduction <add>, %convert_element_type3A_100, %reduce_sum3A_101 [1] : vector<16x63xf32> to vector<16xf32>
    %broadcast_in_dim3A_103 = vector.shape_cast %reduce_sum3A_102 : vector<16xf32> to vector<16x1xf32>
    %sub3A_104 = arith.subf %broadcast_in_dim3A_103, %broadcast_in_dim3A_87 : vector<16x1xf32>
    %add3A_105 = arith.constant 1.000000e+00 : f32
    %add3A_106 = vector.broadcast %add3A_105 : f32 to vector<16x1xf32>
    %add3A_107 = arith.addf %sub3A_104, %add3A_106 : vector<16x1xf32>
    %iota3A_108 = tpu.iota {dimensions = array<i32: 0>} : vector<16x16xi32>
    %iota3A_109 = tpu.iota {dimensions = array<i32: 1>} : vector<16x16xi32>
    %ge3A_110 = arith.cmpi sge, %iota3A_108, %iota3A_109 : vector<16x16xi32>
    %convert_element_type3A_111 = arith.extui %ge3A_110 : vector<16x16xi1> to vector<16x16xi32>
    %convert_element_type3A_112 = arith.sitofp %convert_element_type3A_111 : vector<16x16xi32> to vector<16x16xf32>
    %dot_general3A_113 = arith.constant dense<0.000000e+00> : vector<16x1xf32>
    %dot_general3A_114 = tpu.matmul %convert_element_type3A_112, %add3A_107, %dot_general3A_113 {dimension_numbers = #tpu.dot_dimension_numbers<[1], [0], [0], [1], [0, 0, 1, 1], [], []>, precision = #tpu.contract_precision<fp32>, transpose_lhs_hint = false} : vector<16x16xf32>, vector<16x1xf32>, vector<16x1xf32> -> vector<16x1xf32>
    %sub3A_115 = arith.subf %dot_general3A_114, %add3A_107 : vector<16x1xf32>
    %reduce_max3A_116 = vector.shape_cast %dot_general3A_114 : vector<16x1xf32> to vector<1x16x1xf32>
    %reduce_max3A_117 = arith.constant dense<0xFF800000> : vector<1xf32>
    %reduce_max3A_118 = vector.multi_reduction <maximumf>, %reduce_max3A_116, %reduce_max3A_117 [1, 2] : vector<1x16x1xf32> to vector<1xf32>
    %reduce_max3A_119 = vector.shape_cast %reduce_max3A_118 : vector<1xf32> to vector<1x1x1xf32>
    %reduce_max3A_120 = vector.extract %reduce_max3A_119[0, 0, 0] : f32 from vector<1x1x1xf32>
    %reduce_max3A_121 = vector.shape_cast %broadcast_in_dim3A_103 : vector<16x1xf32> to vector<1x16x1xf32>
    %reduce_max3A_122 = arith.constant dense<0xFF800000> : vector<1xf32>
    %reduce_max3A_123 = vector.multi_reduction <maximumf>, %reduce_max3A_121, %reduce_max3A_122 [1, 2] : vector<1x16x1xf32> to vector<1xf32>
    %reduce_max3A_124 = vector.shape_cast %reduce_max3A_123 : vector<1xf32> to vector<1x1x1xf32>
    %reduce_max3A_125 = vector.extract %reduce_max3A_124[0, 0, 0] : f32 from vector<1x1x1xf32>
    %iota3A_126 = tpu.iota {dimensions = array<i32: 1>} : vector<1x128xi32>
    %convert_element_type3A_127 = arith.sitofp %iota3A_126 : vector<1x128xi32> to vector<1x128xf32>
    %le3A_128 = vector.broadcast %dot_general3A_114 : vector<16x1xf32> to vector<16x128xf32>
    %le3A_129 = vector.broadcast %convert_element_type3A_127 : vector<1x128xf32> to vector<16x128xf32>
    %le3A_130 = arith.cmpf ole, %le3A_128, %le3A_129 : vector<16x128xf32>
    %convert_element_type3A_131 = arith.extui %le3A_130 : vector<16x128xi1> to vector<16x128xi32>
    %convert_element_type3A_132 = arith.sitofp %convert_element_type3A_131 : vector<16x128xi32> to vector<16x128xf32>
    %reduce_sum3A_133 = arith.constant dense<0.000000e+00> : vector<128xf32>
    %reduce_sum3A_134 = vector.multi_reduction <add>, %convert_element_type3A_132, %reduce_sum3A_133 [0] : vector<16x128xf32> to vector<128xf32>
    %broadcast_in_dim3A_135 = vector.shape_cast %reduce_sum3A_134 : vector<128xf32> to vector<1x128xf32>
    %min3A = arith.constant 1.500000e+01 : f32
    %min3A_136 = vector.broadcast %min3A : f32 to vector<1x128xf32>
    %min3A_137 = arith.minimumf %broadcast_in_dim3A_135, %min3A_136 : vector<1x128xf32>
    %sub3A_138 = arith.constant 1.000000e+00 : f32
    %sub3A_139 = vector.broadcast %sub3A_138 : f32 to vector<1x128xf32>
    %sub3A_140 = arith.subf %convert_element_type3A_127, %sub3A_139 : vector<1x128xf32>
    %le3A_141 = vector.broadcast %dot_general3A_114 : vector<16x1xf32> to vector<16x128xf32>
    %le3A_142 = vector.broadcast %sub3A_140 : vector<1x128xf32> to vector<16x128xf32>
    %le3A_143 = arith.cmpf ole, %le3A_141, %le3A_142 : vector<16x128xf32>
    %convert_element_type3A_144 = arith.extui %le3A_143 : vector<16x128xi1> to vector<16x128xi32>
    %convert_element_type3A_145 = arith.sitofp %convert_element_type3A_144 : vector<16x128xi32> to vector<16x128xf32>
    %reduce_sum3A_146 = arith.constant dense<0.000000e+00> : vector<128xf32>
    %reduce_sum3A_147 = vector.multi_reduction <add>, %convert_element_type3A_145, %reduce_sum3A_146 [0] : vector<16x128xf32> to vector<128xf32>
    %broadcast_in_dim3A_148 = vector.shape_cast %reduce_sum3A_147 : vector<128xf32> to vector<1x128xf32>
    %min3A_149 = arith.constant 1.500000e+01 : f32
    %min3A_150 = vector.broadcast %min3A_149 : f32 to vector<1x128xf32>
    %min3A_151 = arith.minimumf %broadcast_in_dim3A_148, %min3A_150 : vector<1x128xf32>
    %lt3A_152 = vector.broadcast %reduce_max3A_120 : f32 to vector<1x128xf32>
    %lt3A_153 = arith.cmpf olt, %convert_element_type3A_127, %lt3A_152 : vector<1x128xf32>
    %iota3A_154 = tpu.iota {dimensions = array<i32: 0>} : vector<16x128xi32>
    %convert_element_type3A_155 = arith.sitofp %iota3A_154 : vector<16x128xi32> to vector<16x128xf32>
    %eq3A_156 = vector.broadcast %min3A_137 : vector<1x128xf32> to vector<16x128xf32>
    %eq3A_157 = arith.cmpf oeq, %convert_element_type3A_155, %eq3A_156 : vector<16x128xf32>
    %convert_element_type3A_158 = arith.extui %eq3A_157 : vector<16x128xi1> to vector<16x128xi32>
    %convert_element_type3A_159 = arith.sitofp %convert_element_type3A_158 : vector<16x128xi32> to vector<16x128xf32>
    %mul3A_160 = vector.broadcast %sub3A_115 : vector<16x1xf32> to vector<16x128xf32>
    %mul3A_161 = arith.mulf %convert_element_type3A_159, %mul3A_160 : vector<16x128xf32>
    %reduce_sum3A_162 = arith.constant dense<0.000000e+00> : vector<128xf32>
    %reduce_sum3A_163 = vector.multi_reduction <add>, %mul3A_161, %reduce_sum3A_162 [0] : vector<16x128xf32> to vector<128xf32>
    %broadcast_in_dim3A_164 = vector.shape_cast %reduce_sum3A_163 : vector<128xf32> to vector<1x128xf32>
    %mul3A_165 = vector.broadcast %broadcast_in_dim3A_87 : vector<16x1xf32> to vector<16x128xf32>
    %mul3A_166 = arith.mulf %convert_element_type3A_159, %mul3A_165 : vector<16x128xf32>
    %reduce_sum3A_167 = arith.constant dense<0.000000e+00> : vector<128xf32>
    %reduce_sum3A_168 = vector.multi_reduction <add>, %mul3A_166, %reduce_sum3A_167 [0] : vector<16x128xf32> to vector<128xf32>
    %broadcast_in_dim3A_169 = vector.shape_cast %reduce_sum3A_168 : vector<128xf32> to vector<1x128xf32>
    %sub3A_170 = arith.subf %convert_element_type3A_127, %broadcast_in_dim3A_164 : vector<1x128xf32>
    %add3A_171 = arith.addf %broadcast_in_dim3A_169, %sub3A_170 : vector<1x128xf32>
    %broadcast_in_dim3A_172 = vector.broadcast %reduce_max3A_125 : f32 to vector<1x128xf32>
    %select_n3A_173 = arith.select %lt3A_153, %add3A_171, %broadcast_in_dim3A_172 : vector<1x128xi1>, vector<1x128xf32>
    %jit3A_174 = arith.constant 0.000000e+00 : f32
    %jit3A_175 = arith.constant 6.200000e+01 : f32
    %max3A = vector.broadcast %jit3A_174 : f32 to vector<1x128xf32>
    %max3A_176 = arith.maximumf %max3A, %select_n3A_173 : vector<1x128xf32>
    %min3A_177 = vector.broadcast %jit3A_175 : f32 to vector<1x128xf32>
    %min3A_178 = arith.minimumf %min3A_177, %max3A_176 : vector<1x128xf32>
    %iota3A_179 = tpu.iota {dimensions = array<i32: 0>} : vector<63x128xi32>
    %convert_element_type3A_180 = arith.sitofp %iota3A_179 : vector<63x128xi32> to vector<63x128xf32>
    %eq3A_181 = vector.broadcast %min3A_178 : vector<1x128xf32> to vector<63x128xf32>
    %eq3A_182 = arith.cmpf oeq, %convert_element_type3A_180, %eq3A_181 : vector<63x128xf32>
    %convert_element_type3A_183 = arith.extui %eq3A_182 : vector<63x128xi1> to vector<63x128xi32>
    %convert_element_type3A_184 = arith.sitofp %convert_element_type3A_183 : vector<63x128xi32> to vector<63x128xf32>
    %dot_general3A_185 = arith.constant dense<0.000000e+00> : vector<1x128xf32>
    %dot_general3A_186 = tpu.matmul %dot_general3A_66, %convert_element_type3A_184, %dot_general3A_185 {dimension_numbers = #tpu.dot_dimension_numbers<[1], [0], [0], [1], [0, 0, 1, 1], [], []>, precision = #tpu.contract_precision<fp32>, transpose_lhs_hint = false} : vector<1x63xf32>, vector<63x128xf32>, vector<1x128xf32> -> vector<1x128xf32>
    %dot_general3A_187 = arith.constant dense<0.000000e+00> : vector<1x128xf32>
    %dot_general3A_188 = tpu.matmul %add3A_67, %convert_element_type3A_184, %dot_general3A_187 {dimension_numbers = #tpu.dot_dimension_numbers<[1], [0], [0], [1], [0, 0, 1, 1], [], []>, precision = #tpu.contract_precision<fp32>, transpose_lhs_hint = false} : vector<1x63xf32>, vector<63x128xf32>, vector<1x128xf32> -> vector<1x128xf32>
    %mul3A_189 = arith.constant 1.280000e+02 : f32
    %mul3A_190 = vector.broadcast %mul3A_189 : f32 to vector<1x128xf32>
    %mul3A_191 = arith.mulf %min3A_137, %mul3A_190 : vector<1x128xf32>
    %max3A_192 = arith.maximumf %dot_general3A_186, %mul3A_191 : vector<1x128xf32>
    %add3A_193 = arith.constant 1.000000e+00 : f32
    %add3A_194 = vector.broadcast %add3A_193 : f32 to vector<1x128xf32>
    %add3A_195 = arith.addf %min3A_137, %add3A_194 : vector<1x128xf32>
    %mul3A_196 = arith.constant 1.280000e+02 : f32
    %mul3A_197 = vector.broadcast %mul3A_196 : f32 to vector<1x128xf32>
    %mul3A_198 = arith.mulf %add3A_195, %mul3A_197 : vector<1x128xf32>
    %min3A_199 = arith.minimumf %dot_general3A_188, %mul3A_198 : vector<1x128xf32>
    %jit3A_200 = arith.constant 0.000000e+00 : f32
    %broadcast_in_dim3A_201 = vector.broadcast %jit3A_200 : f32 to vector<1x128xf32>
    %select_n3A_202 = arith.select %lt3A_153, %max3A_192, %broadcast_in_dim3A_201 : vector<1x128xi1>, vector<1x128xf32>
    %jit3A_203 = arith.constant 0.000000e+00 : f32
    %broadcast_in_dim3A_204 = vector.broadcast %jit3A_203 : f32 to vector<1x128xf32>
    %select_n3A_205 = arith.select %lt3A_153, %min3A_199, %broadcast_in_dim3A_204 : vector<1x128xi1>, vector<1x128xf32>
    %ne3A = arith.cmpf one, %min3A_137, %min3A_151 : vector<1x128xf32>
    %eq3A_206 = arith.constant 0.000000e+00 : f32
    %eq3A_207 = vector.broadcast %eq3A_206 : f32 to vector<1x128xf32>
    %eq3A_208 = arith.cmpf oeq, %convert_element_type3A_127, %eq3A_207 : vector<1x128xf32>
    %or3A = arith.ori %ne3A, %eq3A_208 : vector<1x128xi1>
    %convert_element_type3A_209 = arith.extui %or3A : vector<1x128xi1> to vector<1x128xi32>
    %convert_element_type3A_210 = arith.sitofp %convert_element_type3A_209 : vector<1x128xi32> to vector<1x128xf32>
    %broadcast_in_dim3A_211 = arith.constant 0.000000e+00 : f32
    %broadcast_in_dim3A_212 = vector.broadcast %broadcast_in_dim3A_211 : f32 to vector<1x128xf32>
    %concatenate3A_213 = tpu.concatenate %min3A_137, %min3A_178, %select_n3A_202, %select_n3A_205, %convert_element_type3A_210, %broadcast_in_dim3A_212, %broadcast_in_dim3A_212, %broadcast_in_dim3A_212 in 0 : vector<1x128xf32>, vector<1x128xf32>, vector<1x128xf32>, vector<1x128xf32>, vector<1x128xf32>, vector<1x128xf32>, vector<1x128xf32>, vector<1x128xf32> -> vector<8x128xf32>
    %convert_element_type3A_214 = arith.fptosi %concatenate3A_213 : vector<8x128xf32> to vector<8x128xi32>
    %swap3A_215 = arith.constant 0 : index
    %swap3A_216 = arith.constant 0 : index
    %swap3A_217 = vector.load %arg2[%swap3A_215, %swap3A_216] : memref<8x128xi32, #tpu.memory_space<vmem>>, vector<8x128xi32>
    tpu.vector_store %arg2[%swap3A_215, %swap3A_216], %convert_element_type3A_214 {strides = array<i32>} : memref<8x128xi32, #tpu.memory_space<vmem>>, vector<8x128xi32>,
    return
  }
}

module attributes {stable_mosaic.version = 14 : i64} {
  func.func @_gmm_body(%arg0: i32, %arg1: memref<8x128xi32, #tpu.memory_space<smem>>, %arg2: memref<128x768xf32, #tpu.memory_space<vmem>>, %arg3: memref<1x256x768xf32, #tpu.memory_space<vmem>>, %arg4: memref<1x256x768xf32, #tpu.memory_space<vmem>>, %arg5: memref<1x768x256xf32, #tpu.memory_space<vmem>>, %arg6: memref<256x768xf32, #tpu.memory_space<vmem>>, %arg7: memref<256x768xf32, #tpu.memory_space<vmem>>, %arg8: memref<768x256xf32, #tpu.memory_space<vmem>>, %arg9: memref<128x768xf32, #tpu.memory_space<vmem>>) attributes {dimension_semantics = [#tpu.dimension_semantics<arbitrary>], iteration_bounds = array<i64: 78>, scalar_prefetch = 1 : i64, scratch_operands = 0 : i64, tpu.core_type = #tpu.core_type<tc>, window_params = [{transform_indices = @transform_0, window_bounds = array<i64: 128, 768>}, {transform_indices = @transform_1, window_bounds = array<i64: 1, 256, 768>}, {transform_indices = @transform_2, window_bounds = array<i64: 1, 256, 768>}, {transform_indices = @transform_3, window_bounds = array<i64: 1, 768, 256>}, {pipeline_mode = #tpu.pipeline_mode<synchronous>, transform_indices = @transform_4, window_bounds = array<i64: 256, 768>}, {pipeline_mode = #tpu.pipeline_mode<synchronous>, transform_indices = @transform_5, window_bounds = array<i64: 256, 768>}, {pipeline_mode = #tpu.pipeline_mode<synchronous>, transform_indices = @transform_6, window_bounds = array<i64: 768, 256>}, {transform_indices = @transform_7, window_bounds = array<i64: 128, 768>}]} {
    %get3A = arith.constant 0 : index
    %get3A_0 = arith.index_cast %arg0 : i32 to index
    %get3A_1 = memref.load %arg1[%get3A, %get3A_0] : memref<8x128xi32, #tpu.memory_space<smem>>
    %get3A_2 = arith.constant 2 : index
    %get3A_3 = arith.index_cast %arg0 : i32 to index
    %get3A_4 = memref.load %arg1[%get3A_2, %get3A_3] : memref<8x128xi32, #tpu.memory_space<smem>>
    %get3A_5 = arith.constant 3 : index
    %get3A_6 = arith.index_cast %arg0 : i32 to index
    %get3A_7 = memref.load %arg1[%get3A_5, %get3A_6] : memref<8x128xi32, #tpu.memory_space<smem>>
    %get3A_8 = arith.constant 4 : index
    %get3A_9 = arith.index_cast %arg0 : i32 to index
    %get3A_10 = memref.load %arg1[%get3A_8, %get3A_9] : memref<8x128xi32, #tpu.memory_space<smem>>
    %get3A_11 = arith.constant 0 : index
    %get3A_12 = arith.constant 0 : index
    %get3A_13 = vector.load %arg2[%get3A_11, %get3A_12] : memref<128x768xf32, #tpu.memory_space<vmem>>, vector<128x768xf32>
    %get3A_14 = arith.constant 0 : index
    %get3A_15 = arith.constant 0 : index
    %get3A_16 = arith.constant 0 : index
    %get3A_17 = vector.load %arg3[%get3A_14, %get3A_15, %get3A_16] : memref<1x256x768xf32, #tpu.memory_space<vmem>>, vector<1x256x768xf32>
    %get3A_18 = vector.shape_cast %get3A_17 : vector<1x256x768xf32> to vector<256x768xf32>
    %get3A_19 = arith.constant 0 : index
    %get3A_20 = arith.constant 0 : index
    %get3A_21 = arith.constant 0 : index
    %get3A_22 = vector.load %arg4[%get3A_19, %get3A_20, %get3A_21] : memref<1x256x768xf32, #tpu.memory_space<vmem>>, vector<1x256x768xf32>
    %get3A_23 = vector.shape_cast %get3A_22 : vector<1x256x768xf32> to vector<256x768xf32>
    %get3A_24 = arith.constant 0 : index
    %get3A_25 = arith.constant 0 : index
    %get3A_26 = arith.constant 0 : index
    %get3A_27 = vector.load %arg5[%get3A_24, %get3A_25, %get3A_26] : memref<1x768x256xf32, #tpu.memory_space<vmem>>, vector<1x768x256xf32>
    %get3A_28 = vector.shape_cast %get3A_27 : vector<1x768x256xf32> to vector<768x256xf32>
    %dot_general3A = arith.constant dense<0.000000e+00> : vector<128x256xf32>
    %dot_general3A_29 = tpu.matmul %get3A_13, %get3A_18, %dot_general3A {dimension_numbers = #tpu.dot_dimension_numbers<[1], [1], [0], [0], [0, 0, 1, 0], [], []>, transpose_lhs_hint = false} : vector<128x768xf32>, vector<256x768xf32>, vector<128x256xf32> -> vector<128x256xf32>
    %dot_general3A_30 = arith.constant dense<0.000000e+00> : vector<128x256xf32>
    %dot_general3A_31 = tpu.matmul %get3A_13, %get3A_23, %dot_general3A_30 {dimension_numbers = #tpu.dot_dimension_numbers<[1], [1], [0], [0], [0, 0, 1, 0], [], []>, transpose_lhs_hint = false} : vector<128x768xf32>, vector<256x768xf32>, vector<128x256xf32> -> vector<128x256xf32>
    %logistic3A = arith.negf %dot_general3A_29 : vector<128x256xf32>
    %logistic3A_32 = math.exp %logistic3A : vector<128x256xf32>
    %logistic3A_33 = arith.constant 1.000000e+00 : f32
    %logistic3A_34 = vector.broadcast %logistic3A_33 : f32 to vector<128x256xf32>
    %logistic3A_35 = arith.addf %logistic3A_34, %logistic3A_32 : vector<128x256xf32>
    %logistic3A_36 = arith.divf %logistic3A_34, %logistic3A_35 : vector<128x256xf32>
    %mul3A = arith.mulf %dot_general3A_29, %logistic3A_36 : vector<128x256xf32>
    %mul3A_37 = arith.mulf %mul3A, %dot_general3A_31 : vector<128x256xf32>
    %dot_general3A_38 = arith.constant dense<0.000000e+00> : vector<128x768xf32>
    %dot_general3A_39 = tpu.matmul %mul3A_37, %get3A_28, %dot_general3A_38 {dimension_numbers = #tpu.dot_dimension_numbers<[1], [1], [0], [0], [0, 0, 1, 0], [], []>, transpose_lhs_hint = false} : vector<128x256xf32>, vector<768x256xf32>, vector<128x768xf32> -> vector<128x768xf32>
    %mul3A_40 = arith.constant 128 : i32
    %mul3A_41 = arith.muli %get3A_1, %mul3A_40 : i32
    %iota3A = tpu.iota {dimensions = array<i32: 0>} : vector<128x1xi32>
    %add3A = vector.broadcast %mul3A_41 : i32 to vector<128x1xi32>
    %add3A_42 = arith.addi %add3A, %iota3A : vector<128x1xi32>
    %ge3A = vector.broadcast %get3A_4 : i32 to vector<128x1xi32>
    %ge3A_43 = arith.cmpi sge, %add3A_42, %ge3A : vector<128x1xi32>
    %lt3A = vector.broadcast %get3A_7 : i32 to vector<128x1xi32>
    %lt3A_44 = arith.cmpi slt, %add3A_42, %lt3A : vector<128x1xi32>
    %and3A = arith.andi %ge3A_43, %lt3A_44 : vector<128x1xi1>
    %jit3A = arith.constant 0.000000e+00 : f32
    %broadcast_in_dim3A = vector.shape_cast %and3A : vector<128x1xi1> to vector<128x1xi1>
    %broadcast_in_dim3A_45 = vector.broadcast %broadcast_in_dim3A : vector<128x1xi1> to vector<128x768xi1>
    %broadcast_in_dim3A_46 = vector.broadcast %jit3A : f32 to vector<128x768xf32>
    %select_n3A = arith.select %broadcast_in_dim3A_45, %dot_general3A_39, %broadcast_in_dim3A_46 : vector<128x768xi1>, vector<128x768xf32>
    %eq3A = arith.constant 1 : i32
    %eq3A_47 = arith.cmpi eq, %get3A_10, %eq3A : i32
    %convert_element_type3A = arith.extui %eq3A_47 : i1 to i32
    %cond3A = arith.constant 0 : i32
    %cond3A_48 = arith.cmpi ne, %convert_element_type3A, %cond3A : i32
    scf.if %cond3A_48 {
      %get3A_54 = arith.constant 0 : index
      %get3A_55 = arith.constant 0 : index
      %get3A_56 = vector.load %arg6[%get3A_54, %get3A_55] : memref<256x768xf32, #tpu.memory_space<vmem>>, vector<256x768xf32>
      %get3A_57 = arith.constant 0 : index
      %get3A_58 = arith.constant 0 : index
      %get3A_59 = vector.load %arg7[%get3A_57, %get3A_58] : memref<256x768xf32, #tpu.memory_space<vmem>>, vector<256x768xf32>
      %get3A_60 = arith.constant 0 : index
      %get3A_61 = arith.constant 0 : index
      %get3A_62 = vector.load %arg8[%get3A_60, %get3A_61] : memref<768x256xf32, #tpu.memory_space<vmem>>, vector<768x256xf32>
      %dot_general3A_63 = arith.constant dense<0.000000e+00> : vector<128x256xf32>
      %dot_general3A_64 = tpu.matmul %get3A_13, %get3A_56, %dot_general3A_63 {dimension_numbers = #tpu.dot_dimension_numbers<[1], [1], [0], [0], [0, 0, 1, 0], [], []>, transpose_lhs_hint = false} : vector<128x768xf32>, vector<256x768xf32>, vector<128x256xf32> -> vector<128x256xf32>
      %dot_general3A_65 = arith.constant dense<0.000000e+00> : vector<128x256xf32>
      %dot_general3A_66 = tpu.matmul %get3A_13, %get3A_59, %dot_general3A_65 {dimension_numbers = #tpu.dot_dimension_numbers<[1], [1], [0], [0], [0, 0, 1, 0], [], []>, transpose_lhs_hint = false} : vector<128x768xf32>, vector<256x768xf32>, vector<128x256xf32> -> vector<128x256xf32>
      %logistic3A_67 = arith.negf %dot_general3A_64 : vector<128x256xf32>
      %logistic3A_68 = math.exp %logistic3A_67 : vector<128x256xf32>
      %logistic3A_69 = arith.constant 1.000000e+00 : f32
      %logistic3A_70 = vector.broadcast %logistic3A_69 : f32 to vector<128x256xf32>
      %logistic3A_71 = arith.addf %logistic3A_70, %logistic3A_68 : vector<128x256xf32>
      %logistic3A_72 = arith.divf %logistic3A_70, %logistic3A_71 : vector<128x256xf32>
      %mul3A_73 = arith.mulf %dot_general3A_64, %logistic3A_72 : vector<128x256xf32>
      %mul3A_74 = arith.mulf %mul3A_73, %dot_general3A_66 : vector<128x256xf32>
      %dot_general3A_75 = arith.constant dense<0.000000e+00> : vector<128x768xf32>
      %dot_general3A_76 = tpu.matmul %mul3A_74, %get3A_62, %dot_general3A_75 {dimension_numbers = #tpu.dot_dimension_numbers<[1], [1], [0], [0], [0, 0, 1, 0], [], []>, transpose_lhs_hint = false} : vector<128x256xf32>, vector<768x256xf32>, vector<128x768xf32> -> vector<128x768xf32>
      %add3A_77 = arith.addf %select_n3A, %dot_general3A_76 : vector<128x768xf32>
      %swap3A = arith.constant 0 : index
      %swap3A_78 = arith.constant 0 : index
      %swap3A_79 = vector.load %arg9[%swap3A, %swap3A_78] : memref<128x768xf32, #tpu.memory_space<vmem>>, vector<128x768xf32>
      tpu.vector_store %arg9[%swap3A, %swap3A_78], %add3A_77 {strides = array<i32>} : memref<128x768xf32, #tpu.memory_space<vmem>>, vector<128x768xf32>,
    } else {
    }
    %eq3A_49 = arith.constant 0 : i32
    %eq3A_50 = arith.cmpi eq, %get3A_10, %eq3A_49 : i32
    %convert_element_type3A_51 = arith.extui %eq3A_50 : i1 to i32
    %cond3A_52 = arith.constant 0 : i32
    %cond3A_53 = arith.cmpi ne, %convert_element_type3A_51, %cond3A_52 : i32
    scf.if %cond3A_53 {
      %get3A_54 = arith.constant 0 : index
      %get3A_55 = arith.constant 0 : index
      %get3A_56 = vector.load %arg9[%get3A_54, %get3A_55] : memref<128x768xf32, #tpu.memory_space<vmem>>, vector<128x768xf32>
      %add3A_57 = arith.addf %get3A_56, %select_n3A : vector<128x768xf32>
      %swap3A = arith.constant 0 : index
      %swap3A_58 = arith.constant 0 : index
      %swap3A_59 = vector.load %arg9[%swap3A, %swap3A_58] : memref<128x768xf32, #tpu.memory_space<vmem>>, vector<128x768xf32>
      tpu.vector_store %arg9[%swap3A, %swap3A_58], %add3A_57 {strides = array<i32>} : memref<128x768xf32, #tpu.memory_space<vmem>>, vector<128x768xf32>,
    } else {
    }
    return
  }
  func.func @transform_0(%arg0: i32, %arg1: memref<8x128xi32, #tpu.memory_space<smem>>) -> (i32, i32) {
    %get3A = arith.constant 0 : index
    %get3A_0 = arith.index_cast %arg0 : i32 to index
    %get3A_1 = memref.load %arg1[%get3A, %get3A_0] : memref<8x128xi32, #tpu.memory_space<smem>>
    %c0_i32 = arith.constant 0 : i32
    %c0_i32_2 = arith.constant 0 : i32
    return %get3A_1, %c0_i32 : i32, i32
  }
  func.func @transform_1(%arg0: i32, %arg1: memref<8x128xi32, #tpu.memory_space<smem>>) -> (i32, i32, i32) {
    %get3A = arith.constant 1 : index
    %get3A_0 = arith.index_cast %arg0 : i32 to index
    %get3A_1 = memref.load %arg1[%get3A, %get3A_0] : memref<8x128xi32, #tpu.memory_space<smem>>
    %c0_i32 = arith.constant 0 : i32
    %c0_i32_2 = arith.constant 0 : i32
    %c0_i32_3 = arith.constant 0 : i32
    return %get3A_1, %c0_i32, %c0_i32_2 : i32, i32, i32
  }
  func.func @transform_2(%arg0: i32, %arg1: memref<8x128xi32, #tpu.memory_space<smem>>) -> (i32, i32, i32) {
    %get3A = arith.constant 1 : index
    %get3A_0 = arith.index_cast %arg0 : i32 to index
    %get3A_1 = memref.load %arg1[%get3A, %get3A_0] : memref<8x128xi32, #tpu.memory_space<smem>>
    %c0_i32 = arith.constant 0 : i32
    %c0_i32_2 = arith.constant 0 : i32
    %c0_i32_3 = arith.constant 0 : i32
    return %get3A_1, %c0_i32, %c0_i32_2 : i32, i32, i32
  }
  func.func @transform_3(%arg0: i32, %arg1: memref<8x128xi32, #tpu.memory_space<smem>>) -> (i32, i32, i32) {
    %get3A = arith.constant 1 : index
    %get3A_0 = arith.index_cast %arg0 : i32 to index
    %get3A_1 = memref.load %arg1[%get3A, %get3A_0] : memref<8x128xi32, #tpu.memory_space<smem>>
    %c0_i32 = arith.constant 0 : i32
    %c0_i32_2 = arith.constant 0 : i32
    %c0_i32_3 = arith.constant 0 : i32
    return %get3A_1, %c0_i32, %c0_i32_2 : i32, i32, i32
  }
  func.func @transform_4(%arg0: i32, %arg1: memref<8x128xi32, #tpu.memory_space<smem>>) -> (i32, i32) {
    %c0_i32 = arith.constant 0 : i32
    %c0_i32_0 = arith.constant 0 : i32
    %c0_i32_1 = arith.constant 0 : i32
    return %c0_i32, %c0_i32_0 : i32, i32
  }
  func.func @transform_5(%arg0: i32, %arg1: memref<8x128xi32, #tpu.memory_space<smem>>) -> (i32, i32) {
    %c0_i32 = arith.constant 0 : i32
    %c0_i32_0 = arith.constant 0 : i32
    %c0_i32_1 = arith.constant 0 : i32
    return %c0_i32, %c0_i32_0 : i32, i32
  }
  func.func @transform_6(%arg0: i32, %arg1: memref<8x128xi32, #tpu.memory_space<smem>>) -> (i32, i32) {
    %c0_i32 = arith.constant 0 : i32
    %c0_i32_0 = arith.constant 0 : i32
    %c0_i32_1 = arith.constant 0 : i32
    return %c0_i32, %c0_i32_0 : i32, i32
  }
  func.func @transform_7(%arg0: i32, %arg1: memref<8x128xi32, #tpu.memory_space<smem>>) -> (i32, i32) {
    %get3A = arith.constant 0 : index
    %get3A_0 = arith.index_cast %arg0 : i32 to index
    %get3A_1 = memref.load %arg1[%get3A, %get3A_0] : memref<8x128xi32, #tpu.memory_space<smem>>
    %c0_i32 = arith.constant 0 : i32
    %c0_i32_2 = arith.constant 0 : i32
    return %get3A_1, %c0_i32 : i32, i32
  }
}

</mosaic_0001>

<sc_bundles>
// kernel: kernel.6.cloned.1.call-start
scs
__scs_entry_jumppad:
0x0: {  	(pc) =	sbr.rel $0x88, $3  }
0x1: {  	(tag) =	ssettag $0x0;
	lr =	simm.s32 $0x1  }
0x2: {  	[smem:$0x3F98] =	sst lr;
	_ =	strace $0xD0000000  }
0x3: {  	_ = 	snop  }
0x4: {  	_ = 	snop  }
0x5: {  	_ = 	snop  }
0x6: {  	_ = 	snop  }
0x7: {  	_ = 	snop  }
__scs_overlays_trampoline_lowered:
0x8: {  	[smem:$0x3FA7] =	sst s0  }
0x9: {  	[smem:$0x3FA8] =	sst s1  }
0xa: {  	[smem:$0x3FA9] =	sst s2  }
0xb: {  	[smem:$0x3FAA] =	sst s3  }
0xc: {  	[smem:$0x3FAB] =	sst s4  }
0xd: {  	[smem:$0x3FAC] =	sst s5  }
0xe: {  	[smem:$0x3FAD] =	sst s6  }
0xf: {  	[smem:$0x3FAE] =	sst s7  }
0x10: {  	[smem:$0x3FAF] =	sst s8  }
0x11: {  	[smem:$0x3FB0] =	sst s9;
	s0 =	simm.s32 @!p0 $0x0  }
0x12: {  	s1 =	sld [smem:$0x3F96];
	s0 =	simm.s32 @p0 $0x1  }
0x13: {  	[smem:$0x3FB1] =	sst s0;
	s0 =	simm.s32 @!p1 $0x0  }
0x14: {  	s2 =	sld [smem:$0x3F95];
	s0 =	simm.s32 @p1 $0x1  }
0x15: {  	[smem:$0x3FB2] =	sst s0;
	s0 =	simm.s32 @!p2 $0x0  }
0x16: {  	s3 =	sld [smem:$0x3FDB];
	s0 =	simm.s32 @p2 $0x1  }
0x17: {  	s4 =	simm.s32 $0x1BF5;
	[smem:$0x3FB4] =	sst s0  }
0x18: {  	s0 =	sld [smem:$0x3F97];
	_ =	swait.ge [sflag:s4], $0x0  }
0x19: {  	s7 =	sld [smem:$0x3F98]  }
0x1a: {  	s8 =	sadd.s32 $0xFFFFE003, lr  }
0x1b: {  	s9 =	sadd.s32 $0xFFFFFEF7, lr;
	s5 =	simm.s32 $0xFFFFFFFF;
	p2 =	slt.u32 s8, $0xFFFFF086  }
0x1c: {  	p1 =	slt.u32 s9, $0xF7A;
	s5 =	simm.s32 @!p2 $0x0  }
0x1d: {  	s5 =	simm.s32 @p1 $0x1;
	p0 =	seq.s32 s7, s2  }
0x1e: {  	s7 =	smul.u32 @!p0 $0xF7A, s2;
	p2 =	seq.s32 @!p0 s5, $0x0  }
0x1f: {  	s9 =	smul.u32 $0xF7A, s1;
	s8 =	simm.s32 @!p0 $0x1BF5;
	p2 =	por !p2, p0  }
0x20: {  	[sflag:s8] =	ssyncset.s32 @!p0 $0xFFFFF086;
	s6 =	sadd.s32 @!p0 s3, s7;
	s7 =	simm.s32 @!p0 $0x108  }
0x21: {  	s3 =	sadd.s32 s3, s9;
	s6 =	sadd.s32 @!p0 $0x88, s6;
	s7 =	simm.s32 @p2 $0x1082  }
0x22: {  	[simem:s7], [sflag:s8] =	dma.local @!p0 [hbm:s6], $0xF7A  }
0x23: {  	s9 =	sor.u32 $0xD0000000, s2;
	s6 =	simm.s32 $0x108;
	_ =	swait.ge @!p0 [sflag:s8], $0x0  }
0x24: {  	s3 =	sadd.s32 $0x88, s3;
	s6 =	simm.s32 @!p1 $0x1082;
	[sflag:s4] =	ssyncset.s32 $0xFFFFF086  }
0x25: {  	[simem:s6], [sflag:s4] =	dma.local [hbm:s3], $0xF7A  }
0x26: {  	[smem:$0x3F98] =	sst s1;
	(tag) =	ssettag s2;
	_ =	strace s9  }
0x27: {  	s1 =	sld [smem:$0x3FA8]  }
0x28: {  	s2 =	sld [smem:$0x3FA9]  }
0x29: {  	s4 =	sld [smem:$0x3FAB]  }
0x2a: {  	p0 =	seq.s32 s5, $0x0;
	s5 =	sld [smem:$0x3FAC]  }
0x2b: {  	s6 =	sld [smem:$0x3FAD]  }
0x2c: {  	s7 =	sld [smem:$0x3FAE]  }
0x2d: {  	s3 =	simm.s32 $0x108;
	s8 =	sld [smem:$0x3FAF]  }
0x2e: {  	s3 =	simm.s32 @!p0 $0x1082;
	s9 =	sld [smem:$0x3FB0]  }
0x2f: {  	lr =	sadd.s32 s0, s3;
	s0 =	sld [smem:$0x3FA7]  }
0x30: {  	s3 =	sld [smem:$0x3FAA]  }
0x31: {  	[smem:$0x3FB3] =	sst s10  }
0x32: {  	s10 =	sld [smem:$0x3FB1];
	_ =	sdelay $0x3  }
0x33: {  	p0 =	seq.s32 s10, $0x1;
	s10 =	sld [smem:$0x3FB3];
	_ =	sdelay $0x3  }
0x34: {  	[smem:$0x3FB3] =	sst s10  }
0x35: {  	s10 =	sld [smem:$0x3FB2];
	_ =	sdelay $0x3  }
0x36: {  	p1 =	seq.s32 s10, $0x1;
	s10 =	sld [smem:$0x3FB3];
	_ =	sdelay $0x3  }
0x37: {  	[smem:$0x3FB3] =	sst s10  }
0x38: {  	s10 =	sld [smem:$0x3FB4]  }
0x39: {  	_ = 	snop;
	(pc) =	sbr.ind lr, $3  }
0x3a: {  	_ = 	snop  }
0x3b: {  	_ = 	snop  }
0x3c: {  	p2 =	seq.s32 s10, $0x1;
	s10 =	sld [smem:$0x3FB3]  }
0x3d: {  	_ =	shalt  }
0x3e: {  	_ =	shalt  }
0x3f: {  	_ =	shalt  }
0x40: {  	_ =	shalt  }
0x41: {  	_ =	shalt  }
0x42: {  	_ =	shalt  }
0x43: {  	_ =	shalt  }
0x44: {  	_ =	shalt  }
0x45: {  	_ =	shalt  }
0x46: {  	_ =	shalt  }
0x47: {  	_ =	shalt  }
0x48: {  	_ =	shalt  }
0x49: {  	_ =	shalt  }
0x4a: {  	_ =	shalt  }
0x4b: {  	_ =	shalt  }
0x4c: {  	_ =	shalt  }
0x4d: {  	_ =	shalt  }
0x4e: {  	_ =	shalt  }
0x4f: {  	_ =	shalt  }
0x50: {  	_ =	shalt  }
0x51: {  	_ =	shalt  }
0x52: {  	_ =	shalt  }
0x53: {  	_ =	shalt  }
0x54: {  	_ =	shalt  }
0x55: {  	_ =	shalt  }
0x56: {  	_ =	shalt  }
0x57: {  	_ =	shalt  }
0x58: {  	_ =	shalt  }
0x59: {  	_ =	shalt  }
0x5a: {  	_ =	shalt  }
0x5b: {  	_ =	shalt  }
0x5c: {  	_ =	shalt  }
0x5d: {  	_ =	shalt  }
0x5e: {  	_ =	shalt  }
0x5f: {  	_ =	shalt  }
0x60: {  	_ =	shalt  }
0x61: {  	_ =	shalt  }
0x62: {  	_ =	shalt  }
0x63: {  	_ =	shalt  }
0x64: {  	_ =	shalt  }
0x65: {  	_ =	shalt  }
0x66: {  	_ =	shalt  }
0x67: {  	_ =	shalt  }
0x68: {  	_ =	shalt  }
0x69: {  	_ =	shalt  }
0x6a: {  	_ =	shalt  }
0x6b: {  	_ =	shalt  }
0x6c: {  	_ =	shalt  }
0x6d: {  	_ =	shalt  }
0x6e: {  	_ =	shalt  }
0x6f: {  	_ =	shalt  }
0x70: {  	_ =	shalt  }
0x71: {  	_ =	shalt  }
0x72: {  	_ =	shalt  }
0x73: {  	_ =	shalt  }
0x74: {  	_ =	shalt  }
0x75: {  	_ =	shalt  }
0x76: {  	_ =	shalt  }
0x77: {  	_ =	shalt  }
0x78: {  	_ =	shalt  }
0x79: {  	_ =	shalt  }
0x7a: {  	_ =	shalt  }
0x7b: {  	_ =	shalt  }
0x7c: {  	_ =	shalt  }
0x7d: {  	_ =	shalt  }
0x7e: {  	_ =	shalt  }
0x7f: {  	_ =	shalt  }
0x80: {  	_ =	shalt  }
0x81: {  	_ =	shalt  }
0x82: {  	_ =	shalt  }
0x83: {  	_ =	shalt  }
0x84: {  	_ =	shalt  }
0x85: {  	_ =	shalt  }
0x86: {  	_ =	shalt  }
0x87: {  	_ =	shalt  }
.Lfunc_end0:
.L_simem_size_0:
called_computation_lowered:
.L_overlay_start_0:
0x88: {  	s2 =	sld [smem:$0x3FD9]  }
0x89: {  	s3 =	sld [smem:$0x3FFE];
	_ =	sdelay $0x1  }
0x8a: {  	s1 =	srdreg.scid  }
0x8b: {  	s0 =	sand.u32 $0x1, s1  }
0x8c: {  	s17 =	sshll.u32 s0, $0xA;
	s2 =	sadd.s32 s3, s2  }
0x8d: {  	s2 =	sadd.s32 s2, s17  }
0x8e: {  	[smem:$0x3FBF] =	sst s2  }
0x8f: {  	_ = 	snop  }
0x90: {  	s2 =	sld [smem:$0x3FC9]  }
0x91: {  	s18 =	sld [smem:$0x3FD0];
	(tm) =	ssettm $0x1  }
0x92: {  	s4 =	sld [smem:$0x3FFB];
	_ =	sdelay $0x3  }
0x93: {  	_ =	strace s4  }
0x94: {  	s4 =	sld [smem:$0x3FFC];
	_ =	sdelay $0x3  }
0x95: {  	_ =	strace s4  }
0x96: {  	s4 =	sld [smem:$0x3FFD];
	_ =	sdelay $0x3  }
0x97: {  	_ =	strace s4  }
0x98: {  	_ =	strace $0x8FFFFFFF  }
0x99: {  	s19 =	sld [smem:$0x3FDB];
	_ =	sdelay $0x1  }
0x9a: {  	s5 =	simm.s32 $_scs_section_size  }
0x9b: {  	s6 =	simm.s32 $_size__tile_overlayer_lowered;
	s7 =	simm.s32 $_tile_overlayer_lowered  }
0x9c: {  	s22 =	simm.s32 $0x1BFF;
	s21 =	sshll.u32 s7, $0x1;
	s4 =	sadd.s32 s5, s19  }
0x9d: {  	s8 =	simm.s32 $0x0;
	s20 =	sshll.u32 s6, $0x1;
	s6 =	sadd.s32 s21, s4  }
0x9e: {  	[timem:s8], [sflag:s22] =	dma.local [hbm:s6], s20  }
0x9f: {  	_ =	swait.ge [sflag:s22], s20  }
0xa0: {  	s5 =	ssub.s32 $0x0, s20;
	[sflag:s22] =	ssyncset.done $0x0  }
0xa1: {  	[sflag:s22] =	ssyncadd.s32 s5;
	_ =	sdelay $0x1  }
0xa2: {  	s23 =	simm.s32 $0x1B8B  }
0xa3: {  	_ =	swait.ge [sflag:s23], $0x1  }
0xa4: {  	[sflag:s23] =	ssyncset.done $0x0  }
0xa5: {  	s25 =	simm.s32 $0x1B8E;
	s24 =	sld [smem:$0x3FFE];
	[sflag:s23] =	ssyncadd.s32 $0xFFFFFFFF  }
0xa6: {  	s26 =	simm.s32 $execute0_lowered;
	[smem:$0x3FD2] =	sst s25  }
0xa7: {  	s6 =	sshll.u32 s26, $0x1;
	_ =	strace $0x80000046;
	[dreg:$0x1] =	wrdreg $0xFFFFFFFF  }
0xa8: {  	s28 =	simm.s32 $_size_execute0_lowered;
	s4 =	sadd.s32 s4, s6;
	[dreg:$0x0] =	wrdreg $0x0  }
0xa9: {  	s6 =	sshll.u32 s28, $0x1;
	[dreg:$0x2] =	wrdreg s4  }
0xaa: {  	[dreg:$0x3] =	wrdreg s6  }
0xab: {  	[dreg:$0x4] =	wrdreg $0xC0  }
0xac: {  	_ =	task [dreg:s8], $0x5FFFF  }
0xad: {  	[dreg:$0x1] =	wrdreg $0xFFFFFFFF  }
0xae: {  	[dreg:$0x0] =	wrdreg $0x60  }
0xaf: {  	[dreg:$0x2] =	wrdreg s2  }
0xb0: {  	[dreg:$0x3] =	wrdreg s24  }
0xb1: {  	[dreg:$0x4] =	wrdreg s18  }
0xb2: {  	[dreg:$0x5] =	wrdreg $0x9  }
0xb3: {  	_ =	task.clear_ibuf [dreg:s8], $0x6FFFF;
	_ =	strace $0x90000046  }
0xb4: {  	s29 =	simm.s32 $0x9;
	_ =	strace $0x80000048  }
0xb5: {  	_ =	swait.ge [sflag:s29], $0x1  }
0xb6: {  	[sflag:s29] =	ssyncadd.s32 $0xFFFFFFFF  }
0xb7: {  	_ =	strace $0x90000048  }
0xb8: {  	_ =	sfence  }
0xb9: {  	s30 =	sld [smem:$0x0];
	_ =	sdelay $0x2  }
0xba: {  	s31 =	sshll.u32 s1, $0xD;
	s1 =	sshrl.u32 s1, $0x2  }
0xbb: {  	s3 =	sand.u32 $0x4000, s31;
	s1 =	sadd.s32 s1, s30  }
0xbc: {  	s0 =	sor.u32 s3, s0;
	s1 =	sshll.u32 s1, $0x11  }
0xbd: {  	s0 =	sor.u32 s1, s0  }
0xbe: {  	s0 =	sadd.s32 $0x8F2B, s0  }
0xbf: {  	[sflag:s0] =	ssyncadd.remote.s32 $0x1  }
0xc0: {  	_ =	sfence.sel $0xFFFF  }
0xc1: {  	[dreg:$0x0] =	wrdreg $0xFFFFFFFF;
	(pc) =	sbr.abs _section_cstart, $3  }
0xc2: {  	[dreg:$0x1] =	wrdreg $0xFFFFFFFF  }
0xc3: {  	_ =	task.clear_ibuf [dreg:s8], $0x2FFFF;
	_ =	strace $0x9FFFFFFF  }
0xc4: {  	(tm) =	ssettm $0x7FFFFFFF  }
0xc5: {  	_ =	shalt  }
tec
execute0_lowered:
.L_overlay_start_1:
0x0: {  	(tag) =	ssettag $0x1  }
0x1: {  	s1 =	rddreg [dreg:$0x0];
	s2 =	srdreg.scid  }
0x2: {  	s4 =	rddreg [dreg:$0x1];
	s0 =	stileid.u32;
	s3 =	simm.s32 $0x0  }
0x3: {  	s8 =	simm.s32 $0x1;
	s26 =	simm.s32 $0x880;
	s9 =	simm.s32 $0x2  }
0x4: {  	s11 =	simm.s32 $0x1880;
	s12 =	simm.s32 $0x2080;
	s13 =	simm.s32 $0x2880  }
0x5: {  	s14 =	simm.s32 $0x3080;
	s15 =	simm.s32 $0x3880;
	s16 =	simm.s32 $0x4080  }
0x6: {  	s17 =	simm.s32 $0x4880;
	s18 =	simm.s32 $0x5080;
	s19 =	simm.s32 $0x5880  }
0x7: {  	s20 =	simm.s32 $0x6080;
	s21 =	simm.s32 $0x6880;
	s22 =	simm.s32 $0x7080  }
0x8: {  	s23 =	simm.s32 $0x7880;
	s28 =	simm.s32 $0x9880;
	s29 =	simm.s32 $0xA080  }
0x9: {  	s30 =	simm.s32 $0xA880;
	s5 =	sand.u32 $0x1, s2;
	s2 =	rddreg [dreg:$0x2]  }
0xa: {  	s31 =	simm.s32 $0xB080;
	s6 =	sshll.u32 s0, $0x4;
	[smem:$0x7FF] =	sst s3  }
0xb: {  	s7 =	sshll.u32 s5, $0x3;
	_ =	strace $0x80000047;
	s5 =	ssub.s32 $0x2, s5  }
0xc: {  	[dreg:$0x6] =	wrdreg s26;
	s26 =	simm.s32 $0x9080;
	s6 =	sor.u32 s7, s6  }
0xd: {  	s24 =	sshrl.u32 s5, $0x1;
	s7 =	simm.s32 $0x80;
	s4 =	sadd.s32 s6, s4  }
0xe: {  	s6 =	smul.u32 $0x300, s6;
	s25 =	ssub.s32 s5, s24;
	s4 =	sadd.s32 $0x1400, s4  }
0xf: {  	v2 =	vlaneseq.u32;
	s5 =	sadd.s32 $0x200, s2;
	s24 =	simm.s32 $0x8080;
	[dreg:$0x4] =	wrdreg s4  }
0x10: {  	vm0 =	vmmov $0xffff;
	v1 =	vshrl.u32 v2, $0x3;
	s1 =	sadd.s32 s1, s6;
	s4 =	sadd.s32 $0x100, s2;
	s6 =	smax.u32 s25, $0x1  }
0x11: {  	v0 =	vand.u32 $0x7, v2;
	v2 =	vor.u32 $0x8, v2;
	v1 =	vmul.u32 $0x8, v1;
	s25 =	simm.s32 $0x8880;
	[dreg:$0x5] =	wrdreg s1;
	s1 =	simm.s32 $0xB880  }
.LBB2_1:
0x12: {  	s0 =	rddreg [dreg:$0x4]  }
0x13: {  	[tilespmem:s3], [sflag:$0x1] =	stream.linear.gather [hbm4b:s0+s3], $0x40, $0x38;
	[tilespmem:$0xC080] =	vst v63  }
0x14: {  	s10 =	rddreg [dreg:$0x5]  }
0x15: {  	[tilespmem:s7], [sflag:$0x2] =	stream.linear.gather [hbm4b:s10+s3], $0xC000, $0x38;
	[tilespmem:$0xC080] =	vst v63  }
0x16: {  	_ =	swait.ge [sflag:s8], $0x40  }
0x17: {  	[sflag:s8] =	ssyncset.done $0x0  }
0x18: {  	[sflag:s8] =	ssyncadd.s32 $0xFFFFFFC0  }
0x19: {  	_ =	swait.ge [sflag:s9], $0xC000  }
0x1a: {  	[sflag:s9] =	ssyncset.done $0x0  }
0x1b: {  	[sflag:s9] =	ssyncadd.s32 $0xFFFF4000  }
0x1c: {  	v3 =	vld [tilespmem:$0x0];
	_ =	sdelay $0x4  }
0x1d: {  	v4 =	vshrl.u32 v3, $0x3  }
0x1e: {  	v4 =	vmul.u32 $0x30, v4  }
0x1f: {  	v3 =	vand.u32 $0x7, v3  }
0x20: {  	v3 =	vor.u32 v3, v4  }
0x21: {  	v4 =	vperm.xlane v3, v0;
	_ =	sdelay $0x1  }
0x22: {  	v4 =	vadd.s32 v1, v4;
	_ =	sdelay $0x3  }
0x23: {  	v3 =	vperm.xlane v3, v2  }
0x24: {  	[hbm4b:s2+s3] =	stream.indirect_vreg.scatter [tilespmem:s7], [sflag:$0x1], $0x80, v4, vm0, $0xb8;
	[tilespmem:$0xC080] =	vst v63  }
0x25: {  	s10 =	rddreg [dreg:$0x6];
	v3 =	vadd.s32 v1, v3  }
0x26: {  	[hbm4b:s4+s3] =	stream.indirect_vreg.scatter [tilespmem:s10], [sflag:$0x1], $0x80, v4, vm0, $0xb8;
	[tilespmem:$0xC080] =	vst v63  }
0x27: {  	s10 =	simm.s32 $0x1080  }
0x28: {  	[hbm4b:s5+s3] =	stream.indirect_vreg.scatter [tilespmem:s10], [sflag:$0x1], $0x80, v4, vm0, $0xb8;
	[tilespmem:$0xC080] =	vst v63  }
0x29: {  	_ = 	snop  }
0x2a: {  	[hbm4b:s2+s3] =	stream.indirect_vreg.scatter [tilespmem:s11], [sflag:$0x1], $0x80, v3, vm0, $0xb8;
	[tilespmem:$0xC080] =	vst v63  }
0x2b: {  	_ = 	snop  }
0x2c: {  	[hbm4b:s4+s3] =	stream.indirect_vreg.scatter [tilespmem:s12], [sflag:$0x1], $0x80, v3, vm0, $0xb8;
	[tilespmem:$0xC080] =	vst v63  }
0x2d: {  	_ = 	snop  }
0x2e: {  	[hbm4b:s5+s3] =	stream.indirect_vreg.scatter [tilespmem:s13], [sflag:$0x1], $0x80, v3, vm0, $0xb8;
	[tilespmem:$0xC080] =	vst v63  }
0x2f: {  	v3 =	vld [tilespmem:$0x10];
	_ =	sdelay $0x4  }
0x30: {  	v61 =	vshrl.u32 v3, $0x3  }
0x31: {  	v4 =	vmul.u32 $0x30, v61  }
0x32: {  	v3 =	vand.u32 $0x7, v3  }
0x33: {  	v3 =	vor.u32 v3, v4  }
0x34: {  	v4 =	vperm.xlane v3, v0;
	_ =	sdelay $0x1  }
0x35: {  	v4 =	vadd.s32 v1, v4;
	_ =	sdelay $0x3  }
0x36: {  	v3 =	vperm.xlane v3, v2  }
0x37: {  	[hbm4b:s2+s3] =	stream.indirect_vreg.scatter [tilespmem:s14], [sflag:$0x1], $0x80, v4, vm0, $0xb8;
	[tilespmem:$0xC080] =	vst v63  }
0x38: {  	v3 =	vadd.s32 v1, v3  }
0x39: {  	[hbm4b:s4+s3] =	stream.indirect_vreg.scatter [tilespmem:s15], [sflag:$0x1], $0x80, v4, vm0, $0xb8;
	[tilespmem:$0xC080] =	vst v63  }
0x3a: {  	_ = 	snop  }
0x3b: {  	[hbm4b:s5+s3] =	stream.indirect_vreg.scatter [tilespmem:s16], [sflag:$0x1], $0x80, v4, vm0, $0xb8;
	[tilespmem:$0xC080] =	vst v63  }
0x3c: {  	_ = 	snop  }
0x3d: {  	[hbm4b:s2+s3] =	stream.indirect_vreg.scatter [tilespmem:s17], [sflag:$0x1], $0x80, v3, vm0, $0xb8;
	[tilespmem:$0xC080] =	vst v63  }
0x3e: {  	_ = 	snop  }
0x3f: {  	[hbm4b:s4+s3] =	stream.indirect_vreg.scatter [tilespmem:s18], [sflag:$0x1], $0x80, v3, vm0, $0xb8;
	[tilespmem:$0xC080] =	vst v63  }
0x40: {  	_ = 	snop  }
0x41: {  	[hbm4b:s5+s3] =	stream.indirect_vreg.scatter [tilespmem:s19], [sflag:$0x1], $0x80, v3, vm0, $0xb8;
	[tilespmem:$0xC080] =	vst v63  }
0x42: {  	v3 =	vld [tilespmem:$0x20];
	_ =	sdelay $0x4  }
0x43: {  	v62 =	vshrl.u32 v3, $0x3  }
0x44: {  	v4 =	vmul.u32 $0x30, v62  }
0x45: {  	v3 =	vand.u32 $0x7, v3  }
0x46: {  	v3 =	vor.u32 v3, v4  }
0x47: {  	v4 =	vperm.xlane v3, v0;
	_ =	sdelay $0x1  }
0x48: {  	v4 =	vadd.s32 v1, v4;
	_ =	sdelay $0x3  }
0x49: {  	v3 =	vperm.xlane v3, v2  }
0x4a: {  	[hbm4b:s2+s3] =	stream.indirect_vreg.scatter [tilespmem:s20], [sflag:$0x1], $0x80, v4, vm0, $0xb8;
	[tilespmem:$0xC080] =	vst v63  }
0x4b: {  	v3 =	vadd.s32 v1, v3  }
0x4c: {  	[hbm4b:s4+s3] =	stream.indirect_vreg.scatter [tilespmem:s21], [sflag:$0x1], $0x80, v4, vm0, $0xb8;
	[tilespmem:$0xC080] =	vst v63  }
0x4d: {  	_ = 	snop  }
0x4e: {  	[hbm4b:s5+s3] =	stream.indirect_vreg.scatter [tilespmem:s22], [sflag:$0x1], $0x80, v4, vm0, $0xb8;
	[tilespmem:$0xC080] =	vst v63  }
0x4f: {  	_ = 	snop  }
0x50: {  	[hbm4b:s2+s3] =	stream.indirect_vreg.scatter [tilespmem:s23], [sflag:$0x1], $0x80, v3, vm0, $0xb8;
	[tilespmem:$0xC080] =	vst v63  }
0x51: {  	_ = 	snop  }
0x52: {  	[hbm4b:s4+s3] =	stream.indirect_vreg.scatter [tilespmem:s24], [sflag:$0x1], $0x80, v3, vm0, $0xb8;
	[tilespmem:$0xC080] =	vst v63  }
0x53: {  	_ = 	snop  }
0x54: {  	[hbm4b:s5+s3] =	stream.indirect_vreg.scatter [tilespmem:s25], [sflag:$0x1], $0x80, v3, vm0, $0xb8;
	[tilespmem:$0xC080] =	vst v63  }
0x55: {  	v3 =	vld [tilespmem:$0x30];
	_ =	sdelay $0x4  }
0x56: {  	v63 =	vshrl.u32 v3, $0x3  }
0x57: {  	v4 =	vmul.u32 $0x30, v63  }
0x58: {  	v3 =	vand.u32 $0x7, v3  }
0x59: {  	v3 =	vor.u32 v3, v4  }
0x5a: {  	v4 =	vperm.xlane v3, v0;
	_ =	sdelay $0x1  }
0x5b: {  	v4 =	vadd.s32 v1, v4;
	_ =	sdelay $0x3  }
0x5c: {  	v3 =	vperm.xlane v3, v2  }
0x5d: {  	[hbm4b:s2+s3] =	stream.indirect_vreg.scatter [tilespmem:s26], [sflag:$0x1], $0x80, v4, vm0, $0xb8;
	[tilespmem:$0xC080] =	vst v63  }
0x5e: {  	v3 =	vadd.s32 v1, v3  }
0x5f: {  	[hbm4b:s4+s3] =	stream.indirect_vreg.scatter [tilespmem:s28], [sflag:$0x1], $0x80, v4, vm0, $0xb8;
	[tilespmem:$0xC080] =	vst v63  }
0x60: {  	_ = 	snop  }
0x61: {  	[hbm4b:s5+s3] =	stream.indirect_vreg.scatter [tilespmem:s29], [sflag:$0x1], $0x80, v4, vm0, $0xb8;
	[tilespmem:$0xC080] =	vst v63  }
0x62: {  	_ = 	snop  }
0x63: {  	[hbm4b:s2+s3] =	stream.indirect_vreg.scatter [tilespmem:s30], [sflag:$0x1], $0x80, v3, vm0, $0xb8;
	[tilespmem:$0xC080] =	vst v63  }
0x64: {  	p0 =	sne.s32 s6, $0x1  }
0x65: {  	[hbm4b:s4+s3] =	stream.indirect_vreg.scatter [tilespmem:s31], [sflag:$0x1], $0x80, v3, vm0, $0xb8;
	[tilespmem:$0xC080] =	vst v63  }
.Ltmp0:
0x66: {  	_ = 	snop;
	(pc) =	sbr.rel @p0 .LBB2_1-.Ltmp0, $4  }
0x67: {  	[hbm4b:s5+s3] =	stream.indirect_vreg.scatter [tilespmem:s1], [sflag:$0x1], $0x80, v3, vm0, $0xb8;
	[tilespmem:$0xC080] =	vst v63  }
0x68: {  	_ =	swait.ge [sflag:s8], $0xC000  }
0x69: {  	[sflag:s8] =	ssyncset.done $0x0  }
0x6a: {  	s6 =	sadd.s32 $0xFFFFFFFF, s6;
	[sflag:s8] =	ssyncadd.s32 $0xFFFF4000  }
0x6b: {  	_ =	sfence.sel $0x180000  }
0x6c: {  	[bflag:$0x0] =	sbarrier.arrive $0xFFFF  }
0x6d: {  	_ =	strace $0x90000047  }
0x6e: {  	s0 =	stileid.u32;
	[bflag:$0x2] =	sbarrier.arrive $0xFFFF  }
0x6f: {  	p0 =	sne.s32 s0, $0x0;
	s0 =	rddreg [dreg:$0x3]  }
0x70: {  	s0 =	sadd.s32 @!p0 $0x100000, s0  }
0x71: {  	[sflag:s0] =	ssyncadd.tile.s32 @!p0 $0x1;
	_ =	shalt  }
.Lfunc_end2:
_tile_overlayer_lowered:
.L_overlay_start_2:
0x72: {  	(tag) =	ssettag $0x2  }
0x73: {  	s0 =	rddreg [dreg:$0x0];
	s2 =	stileid.u32  }
0x74: {  	s1 =	rddreg [dreg:$0x1];
	p0 =	sne.s32 s2, $0x0  }
0x75: {  	s3 =	rddreg [dreg:$0x2];
	[bflag:$0x3] =	sbarrier.arrive $0xFFFF;
	s2 =	simm.s32 @!p0 $0x1C03  }
0x76: {  	[timem:s3], [sflag:s2] =	dma.local @!p0 [hbm:s0], s1  }
0x77: {  	s0 =	simm.s32 @!p0 $0x3  }
0x78: {  	_ =	swait.ge @!p0 [sflag:s0], s1  }
0x79: {  	s1 =	ssub.s32 @!p0 $0x0, s1;
	[sflag:s0] =	ssyncset.done @!p0 $0x0  }
0x7a: {  	[sflag:s0] =	ssyncadd.s32 @!p0 s1  }
0x7b: {  	[bflag:$0x3] =	sbarrier.arrive $0xFFFF  }
0x7c: {  	_ =	shalt  }

// kernel: kernel.9.cloned.1.call-start
scs
__scs_entry_jumppad:
0x0: {  	(pc) =	sbr.rel $0x88, $3  }
0x1: {  	(tag) =	ssettag $0x0;
	lr =	simm.s32 $0x1  }
0x2: {  	[smem:$0x3F98] =	sst lr;
	_ =	strace $0xD0000000  }
0x3: {  	_ = 	snop  }
0x4: {  	_ = 	snop  }
0x5: {  	_ = 	snop  }
0x6: {  	_ = 	snop  }
0x7: {  	_ = 	snop  }
__scs_overlays_trampoline_lowered:
0x8: {  	[smem:$0x3FA7] =	sst s0  }
0x9: {  	[smem:$0x3FA8] =	sst s1  }
0xa: {  	[smem:$0x3FA9] =	sst s2  }
0xb: {  	[smem:$0x3FAA] =	sst s3  }
0xc: {  	[smem:$0x3FAB] =	sst s4  }
0xd: {  	[smem:$0x3FAC] =	sst s5  }
0xe: {  	[smem:$0x3FAD] =	sst s6  }
0xf: {  	[smem:$0x3FAE] =	sst s7  }
0x10: {  	[smem:$0x3FAF] =	sst s8  }
0x11: {  	[smem:$0x3FB0] =	sst s9;
	s0 =	simm.s32 @!p0 $0x0  }
0x12: {  	s1 =	sld [smem:$0x3F96];
	s0 =	simm.s32 @p0 $0x1  }
0x13: {  	[smem:$0x3FB1] =	sst s0;
	s0 =	simm.s32 @!p1 $0x0  }
0x14: {  	s2 =	sld [smem:$0x3F95];
	s0 =	simm.s32 @p1 $0x1  }
0x15: {  	[smem:$0x3FB2] =	sst s0;
	s0 =	simm.s32 @!p2 $0x0  }
0x16: {  	s3 =	sld [smem:$0x3FDB];
	s0 =	simm.s32 @p2 $0x1  }
0x17: {  	s4 =	simm.s32 $0x1BF5;
	[smem:$0x3FB4] =	sst s0  }
0x18: {  	s0 =	sld [smem:$0x3F97];
	_ =	swait.ge [sflag:s4], $0x0  }
0x19: {  	s7 =	sld [smem:$0x3F98]  }
0x1a: {  	s8 =	sadd.s32 $0xFFFFE003, lr  }
0x1b: {  	s9 =	sadd.s32 $0xFFFFFEF7, lr;
	s5 =	simm.s32 $0xFFFFFFFF;
	p2 =	slt.u32 s8, $0xFFFFF086  }
0x1c: {  	p1 =	slt.u32 s9, $0xF7A;
	s5 =	simm.s32 @!p2 $0x0  }
0x1d: {  	s5 =	simm.s32 @p1 $0x1;
	p0 =	seq.s32 s7, s2  }
0x1e: {  	s7 =	smul.u32 @!p0 $0xF7A, s2;
	p2 =	seq.s32 @!p0 s5, $0x0  }
0x1f: {  	s9 =	smul.u32 $0xF7A, s1;
	s8 =	simm.s32 @!p0 $0x1BF5;
	p2 =	por !p2, p0  }
0x20: {  	[sflag:s8] =	ssyncset.s32 @!p0 $0xFFFFF086;
	s6 =	sadd.s32 @!p0 s3, s7;
	s7 =	simm.s32 @!p0 $0x108  }
0x21: {  	s3 =	sadd.s32 s3, s9;
	s6 =	sadd.s32 @!p0 $0x88, s6;
	s7 =	simm.s32 @p2 $0x1082  }
0x22: {  	[simem:s7], [sflag:s8] =	dma.local @!p0 [hbm:s6], $0xF7A  }
0x23: {  	s9 =	sor.u32 $0xD0000000, s2;
	s6 =	simm.s32 $0x108;
	_ =	swait.ge @!p0 [sflag:s8], $0x0  }
0x24: {  	s3 =	sadd.s32 $0x88, s3;
	s6 =	simm.s32 @!p1 $0x1082;
	[sflag:s4] =	ssyncset.s32 $0xFFFFF086  }
0x25: {  	[simem:s6], [sflag:s4] =	dma.local [hbm:s3], $0xF7A  }
0x26: {  	[smem:$0x3F98] =	sst s1;
	(tag) =	ssettag s2;
	_ =	strace s9  }
0x27: {  	s1 =	sld [smem:$0x3FA8]  }
0x28: {  	s2 =	sld [smem:$0x3FA9]  }
0x29: {  	s4 =	sld [smem:$0x3FAB]  }
0x2a: {  	p0 =	seq.s32 s5, $0x0;
	s5 =	sld [smem:$0x3FAC]  }
0x2b: {  	s6 =	sld [smem:$0x3FAD]  }
0x2c: {  	s7 =	sld [smem:$0x3FAE]  }
0x2d: {  	s3 =	simm.s32 $0x108;
	s8 =	sld [smem:$0x3FAF]  }
0x2e: {  	s3 =	simm.s32 @!p0 $0x1082;
	s9 =	sld [smem:$0x3FB0]  }
0x2f: {  	lr =	sadd.s32 s0, s3;
	s0 =	sld [smem:$0x3FA7]  }
0x30: {  	s3 =	sld [smem:$0x3FAA]  }
0x31: {  	[smem:$0x3FB3] =	sst s10  }
0x32: {  	s10 =	sld [smem:$0x3FB1];
	_ =	sdelay $0x3  }
0x33: {  	p0 =	seq.s32 s10, $0x1;
	s10 =	sld [smem:$0x3FB3];
	_ =	sdelay $0x3  }
0x34: {  	[smem:$0x3FB3] =	sst s10  }
0x35: {  	s10 =	sld [smem:$0x3FB2];
	_ =	sdelay $0x3  }
0x36: {  	p1 =	seq.s32 s10, $0x1;
	s10 =	sld [smem:$0x3FB3];
	_ =	sdelay $0x3  }
0x37: {  	[smem:$0x3FB3] =	sst s10  }
0x38: {  	s10 =	sld [smem:$0x3FB4]  }
0x39: {  	_ = 	snop;
	(pc) =	sbr.ind lr, $3  }
0x3a: {  	_ = 	snop  }
0x3b: {  	_ = 	snop  }
0x3c: {  	p2 =	seq.s32 s10, $0x1;
	s10 =	sld [smem:$0x3FB3]  }
0x3d: {  	_ =	shalt  }
0x3e: {  	_ =	shalt  }
0x3f: {  	_ =	shalt  }
0x40: {  	_ =	shalt  }
0x41: {  	_ =	shalt  }
0x42: {  	_ =	shalt  }
0x43: {  	_ =	shalt  }
0x44: {  	_ =	shalt  }
0x45: {  	_ =	shalt  }
0x46: {  	_ =	shalt  }
0x47: {  	_ =	shalt  }
0x48: {  	_ =	shalt  }
0x49: {  	_ =	shalt  }
0x4a: {  	_ =	shalt  }
0x4b: {  	_ =	shalt  }
0x4c: {  	_ =	shalt  }
0x4d: {  	_ =	shalt  }
0x4e: {  	_ =	shalt  }
0x4f: {  	_ =	shalt  }
0x50: {  	_ =	shalt  }
0x51: {  	_ =	shalt  }
0x52: {  	_ =	shalt  }
0x53: {  	_ =	shalt  }
0x54: {  	_ =	shalt  }
0x55: {  	_ =	shalt  }
0x56: {  	_ =	shalt  }
0x57: {  	_ =	shalt  }
0x58: {  	_ =	shalt  }
0x59: {  	_ =	shalt  }
0x5a: {  	_ =	shalt  }
0x5b: {  	_ =	shalt  }
0x5c: {  	_ =	shalt  }
0x5d: {  	_ =	shalt  }
0x5e: {  	_ =	shalt  }
0x5f: {  	_ =	shalt  }
0x60: {  	_ =	shalt  }
0x61: {  	_ =	shalt  }
0x62: {  	_ =	shalt  }
0x63: {  	_ =	shalt  }
0x64: {  	_ =	shalt  }
0x65: {  	_ =	shalt  }
0x66: {  	_ =	shalt  }
0x67: {  	_ =	shalt  }
0x68: {  	_ =	shalt  }
0x69: {  	_ =	shalt  }
0x6a: {  	_ =	shalt  }
0x6b: {  	_ =	shalt  }
0x6c: {  	_ =	shalt  }
0x6d: {  	_ =	shalt  }
0x6e: {  	_ =	shalt  }
0x6f: {  	_ =	shalt  }
0x70: {  	_ =	shalt  }
0x71: {  	_ =	shalt  }
0x72: {  	_ =	shalt  }
0x73: {  	_ =	shalt  }
0x74: {  	_ =	shalt  }
0x75: {  	_ =	shalt  }
0x76: {  	_ =	shalt  }
0x77: {  	_ =	shalt  }
0x78: {  	_ =	shalt  }
0x79: {  	_ =	shalt  }
0x7a: {  	_ =	shalt  }
0x7b: {  	_ =	shalt  }
0x7c: {  	_ =	shalt  }
0x7d: {  	_ =	shalt  }
0x7e: {  	_ =	shalt  }
0x7f: {  	_ =	shalt  }
0x80: {  	_ =	shalt  }
0x81: {  	_ =	shalt  }
0x82: {  	_ =	shalt  }
0x83: {  	_ =	shalt  }
0x84: {  	_ =	shalt  }
0x85: {  	_ =	shalt  }
0x86: {  	_ =	shalt  }
0x87: {  	_ =	shalt  }
.Lfunc_end0:
.L_simem_size_0:
called_computation.1_lowered:
.L_overlay_start_0:
0x88: {  	s2 =	sld [smem:$0x3FD9]  }
0x89: {  	s3 =	sld [smem:$0x3FFE];
	_ =	sdelay $0x1  }
0x8a: {  	s1 =	srdreg.scid  }
0x8b: {  	s0 =	sand.u32 $0x1, s1  }
0x8c: {  	s17 =	sshll.u32 s0, $0xA;
	s2 =	sadd.s32 s3, s2  }
0x8d: {  	s2 =	sadd.s32 s2, s17  }
0x8e: {  	[smem:$0x3FBF] =	sst s2  }
0x8f: {  	_ = 	snop  }
0x90: {  	s2 =	sld [smem:$0x3FD0];
	(tm) =	ssettm $0x1  }
0x91: {  	s18 =	sld [smem:$0x3FFB];
	_ =	sdelay $0x3  }
0x92: {  	_ =	strace s18  }
0x93: {  	s3 =	sld [smem:$0x3FFC];
	_ =	sdelay $0x3  }
0x94: {  	_ =	strace s3  }
0x95: {  	s3 =	sld [smem:$0x3FFD];
	_ =	sdelay $0x3  }
0x96: {  	_ =	strace s3  }
0x97: {  	_ =	strace $0x8FFFFFFF  }
0x98: {  	s19 =	sld [smem:$0x3FDB];
	_ =	sdelay $0x1  }
0x99: {  	s4 =	simm.s32 $_scs_section_size  }
0x9a: {  	s5 =	simm.s32 $_size__tile_overlayer_lowered;
	s6 =	simm.s32 $_tile_overlayer_lowered  }
0x9b: {  	s22 =	simm.s32 $0x1BFF;
	s21 =	sshll.u32 s6, $0x1;
	s3 =	sadd.s32 s4, s19  }
0x9c: {  	s7 =	simm.s32 $0x0;
	s20 =	sshll.u32 s5, $0x1;
	s5 =	sadd.s32 s21, s3  }
0x9d: {  	[timem:s7], [sflag:s22] =	dma.local [hbm:s5], s20  }
0x9e: {  	_ =	swait.ge [sflag:s22], s20  }
0x9f: {  	s4 =	ssub.s32 $0x0, s20;
	[sflag:s22] =	ssyncset.done $0x0  }
0xa0: {  	[sflag:s22] =	ssyncadd.s32 s4;
	_ =	sdelay $0x1  }
0xa1: {  	s23 =	simm.s32 $0x1B8B  }
0xa2: {  	_ =	swait.ge [sflag:s23], $0x1  }
0xa3: {  	[sflag:s23] =	ssyncset.done $0x0  }
0xa4: {  	s25 =	simm.s32 $0x1B8E;
	s24 =	sld [smem:$0x3FFE];
	[sflag:s23] =	ssyncadd.s32 $0xFFFFFFFF  }
0xa5: {  	s26 =	simm.s32 $execute0_lowered;
	[smem:$0x3FD2] =	sst s25  }
0xa6: {  	s5 =	sshll.u32 s26, $0x1;
	_ =	strace $0x80000049;
	[dreg:$0x1] =	wrdreg $0xFFFFFFFF  }
0xa7: {  	s28 =	simm.s32 $_size_execute0_lowered;
	s3 =	sadd.s32 s3, s5;
	[dreg:$0x0] =	wrdreg $0x0  }
0xa8: {  	s5 =	sshll.u32 s28, $0x1;
	[dreg:$0x2] =	wrdreg s3  }
0xa9: {  	[dreg:$0x3] =	wrdreg s5  }
0xaa: {  	[dreg:$0x4] =	wrdreg $0xC0  }
0xab: {  	_ =	task [dreg:s7], $0x5FFFF  }
0xac: {  	[dreg:$0x1] =	wrdreg $0xFFFFFFFF  }
0xad: {  	[dreg:$0x0] =	wrdreg $0x60  }
0xae: {  	[dreg:$0x2] =	wrdreg s24  }
0xaf: {  	[dreg:$0x3] =	wrdreg s2  }
0xb0: {  	[dreg:$0x4] =	wrdreg $0x9  }
0xb1: {  	_ =	task.clear_ibuf [dreg:s7], $0x5FFFF;
	_ =	strace $0x90000049  }
0xb2: {  	s29 =	simm.s32 $0x9;
	_ =	strace $0x8000004B  }
0xb3: {  	_ =	swait.ge [sflag:s29], $0x1  }
0xb4: {  	[sflag:s29] =	ssyncadd.s32 $0xFFFFFFFF  }
0xb5: {  	_ =	strace $0x9000004B  }
0xb6: {  	_ =	sfence  }
0xb7: {  	s30 =	sld [smem:$0x0];
	_ =	sdelay $0x2  }
0xb8: {  	s31 =	sshll.u32 s1, $0xD;
	s1 =	sshrl.u32 s1, $0x2  }
0xb9: {  	s3 =	sand.u32 $0x4000, s31;
	s1 =	sadd.s32 s1, s30  }
0xba: {  	s0 =	sor.u32 s3, s0;
	s1 =	sshll.u32 s1, $0x11  }
0xbb: {  	s0 =	sor.u32 s1, s0  }
0xbc: {  	s0 =	sadd.s32 $0x8F2B, s0  }
0xbd: {  	[sflag:s0] =	ssyncadd.remote.s32 $0x1  }
0xbe: {  	_ =	sfence.sel $0xFFFF  }
0xbf: {  	[dreg:$0x0] =	wrdreg $0xFFFFFFFF;
	(pc) =	sbr.abs _section_cstart, $3  }
0xc0: {  	[dreg:$0x1] =	wrdreg $0xFFFFFFFF  }
0xc1: {  	_ =	task.clear_ibuf [dreg:s7], $0x2FFFF;
	_ =	strace $0x9FFFFFFF  }
0xc2: {  	(tm) =	ssettm $0x7FFFFFFF  }
0xc3: {  	_ =	shalt  }
tec
execute0_lowered:
.L_overlay_start_1:
0x0: {  	(tag) =	ssettag $0x1  }
0x1: {  	s0 =	rddreg [dreg:$0x0]  }
0x2: {  	s5 =	rddreg [dreg:$0x1];
	s3 =	srdreg.scid  }
0x3: {  	s2 =	simm.s32 $0x0;
	s1 =	stileid.u32;
	s26 =	simm.s32 $0x880  }
0x4: {  	s10 =	simm.s32 $0x1880;
	s11 =	simm.s32 $0x2080;
	s12 =	simm.s32 $0x2880  }
0x5: {  	s13 =	simm.s32 $0x3080;
	s14 =	simm.s32 $0x3880;
	s15 =	simm.s32 $0x4080  }
0x6: {  	s16 =	simm.s32 $0x4880;
	s17 =	simm.s32 $0x5080;
	s18 =	simm.s32 $0x5880  }
0x7: {  	s19 =	simm.s32 $0x6080;
	s20 =	simm.s32 $0x6880;
	s21 =	simm.s32 $0x7080  }
0x8: {  	s22 =	simm.s32 $0x7880;
	s28 =	simm.s32 $0xA080;
	s29 =	simm.s32 $0xA880  }
0x9: {  	s30 =	simm.s32 $0xB080;
	s31 =	simm.s32 $0xB880;
	s3 =	sand.u32 $0x1, s3  }
0xa: {  	[smem:$0x7FF] =	sst s2;
	s4 =	sshll.u32 s1, $0x4;
	s6 =	sshll.u32 s3, $0x3  }
0xb: {  	_ =	strace $0x8000004A;
	s23 =	ssub.s32 $0x2, s3;
	s3 =	sadd.s32 $0x1600, s0  }
0xc: {  	[dreg:$0x5] =	wrdreg s26;
	s26 =	simm.s32 $0x9880;
	s4 =	sor.u32 s6, s4  }
0xd: {  	s8 =	sshrl.u32 s23, $0x1;
	s7 =	sadd.s32 s4, s0;
	s9 =	smul.u32 $0x300, s4  }
0xe: {  	s6 =	ssub.s32 s23, s8;
	s4 =	sadd.s32 $0x1700, s0;
	s8 =	simm.s32 $0x80  }
0xf: {  	s23 =	simm.s32 $0x8080;
	s24 =	sadd.s32 $0x1400, s7;
	s6 =	smax.u32 s6, $0x1  }
0x10: {  	v2 =	vlaneseq.u32;
	s7 =	simm.s32 $0x2;
	[dreg:$0x3] =	wrdreg s24;
	s25 =	sadd.s32 s5, s9  }
0x11: {  	vm0 =	vmmov $0xffff;
	v1 =	vshrl.u32 v2, $0x3;
	s5 =	sadd.s32 $0x1800, s0;
	s9 =	simm.s32 $0x1080;
	s24 =	simm.s32 $0x8880  }
0x12: {  	v0 =	vand.u32 $0x7, v2;
	v2 =	vor.u32 $0x8, v2;
	v1 =	vmul.u32 $0x8, v1;
	s0 =	simm.s32 $0x1;
	[dreg:$0x4] =	wrdreg s25;
	s25 =	simm.s32 $0x9080  }
.LBB2_1:
0x13: {  	s1 =	rddreg [dreg:$0x3]  }
0x14: {  	[tilespmem:s2], [sflag:$0x2] =	stream.linear.gather [hbm4b:s1+s2], $0x40, $0x38;
	[tilespmem:$0xC080] =	vst v63  }
0x15: {  	_ =	swait.ge [sflag:s7], $0x40  }
0x16: {  	[sflag:s7] =	ssyncset.done $0x0  }
0x17: {  	[sflag:s7] =	ssyncadd.s32 $0xFFFFFFC0  }
0x18: {  	v3 =	vld [tilespmem:$0x0];
	_ =	sdelay $0x4  }
0x19: {  	v4 =	vshrl.u32 v3, $0x3  }
0x1a: {  	v4 =	vmul.u32 $0x30, v4  }
0x1b: {  	v3 =	vand.u32 $0x7, v3  }
0x1c: {  	v3 =	vor.u32 v3, v4  }
0x1d: {  	v4 =	vperm.xlane v3, v0;
	_ =	sdelay $0x1  }
0x1e: {  	v4 =	vadd.s32 v1, v4;
	_ =	sdelay $0x3  }
0x1f: {  	v3 =	vperm.xlane v3, v2  }
0x20: {  	[tilespmem:s8], [sflag:$0x1] =	stream.indirect_vreg.gather [hbm4b:s3+s2], $0x80, v4, vm0, $0xb8;
	[tilespmem:$0xC080] =	vst v63  }
0x21: {  	s1 =	rddreg [dreg:$0x5];
	v3 =	vadd.s32 v1, v3  }
0x22: {  	[tilespmem:s1], [sflag:$0x1] =	stream.indirect_vreg.gather [hbm4b:s4+s2], $0x80, v4, vm0, $0xb8;
	[tilespmem:$0xC080] =	vst v63  }
0x23: {  	_ = 	snop  }
0x24: {  	[tilespmem:s9], [sflag:$0x1] =	stream.indirect_vreg.gather [hbm4b:s5+s2], $0x80, v4, vm0, $0xb8;
	[tilespmem:$0xC080] =	vst v63  }
0x25: {  	_ = 	snop  }
0x26: {  	[tilespmem:s10], [sflag:$0x1] =	stream.indirect_vreg.gather [hbm4b:s3+s2], $0x80, v3, vm0, $0xb8;
	[tilespmem:$0xC080] =	vst v63  }
0x27: {  	_ = 	snop  }
0x28: {  	[tilespmem:s11], [sflag:$0x1] =	stream.indirect_vreg.gather [hbm4b:s4+s2], $0x80, v3, vm0, $0xb8;
	[tilespmem:$0xC080] =	vst v63  }
0x29: {  	_ = 	snop  }
0x2a: {  	[tilespmem:s12], [sflag:$0x1] =	stream.indirect_vreg.gather [hbm4b:s5+s2], $0x80, v3, vm0, $0xb8;
	[tilespmem:$0xC080] =	vst v63  }
0x2b: {  	v3 =	vld [tilespmem:$0x10];
	_ =	sdelay $0x4  }
0x2c: {  	v61 =	vshrl.u32 v3, $0x3  }
0x2d: {  	v4 =	vmul.u32 $0x30, v61  }
0x2e: {  	v3 =	vand.u32 $0x7, v3  }
0x2f: {  	v3 =	vor.u32 v3, v4  }
0x30: {  	v4 =	vperm.xlane v3, v0;
	_ =	sdelay $0x1  }
0x31: {  	v4 =	vadd.s32 v1, v4;
	_ =	sdelay $0x3  }
0x32: {  	v3 =	vperm.xlane v3, v2  }
0x33: {  	[tilespmem:s13], [sflag:$0x1] =	stream.indirect_vreg.gather [hbm4b:s3+s2], $0x80, v4, vm0, $0xb8;
	[tilespmem:$0xC080] =	vst v63  }
0x34: {  	v3 =	vadd.s32 v1, v3  }
0x35: {  	[tilespmem:s14], [sflag:$0x1] =	stream.indirect_vreg.gather [hbm4b:s4+s2], $0x80, v4, vm0, $0xb8;
	[tilespmem:$0xC080] =	vst v63  }
0x36: {  	_ = 	snop  }
0x37: {  	[tilespmem:s15], [sflag:$0x1] =	stream.indirect_vreg.gather [hbm4b:s5+s2], $0x80, v4, vm0, $0xb8;
	[tilespmem:$0xC080] =	vst v63  }
0x38: {  	_ = 	snop  }
0x39: {  	[tilespmem:s16], [sflag:$0x1] =	stream.indirect_vreg.gather [hbm4b:s3+s2], $0x80, v3, vm0, $0xb8;
	[tilespmem:$0xC080] =	vst v63  }
0x3a: {  	_ = 	snop  }
0x3b: {  	[tilespmem:s17], [sflag:$0x1] =	stream.indirect_vreg.gather [hbm4b:s4+s2], $0x80, v3, vm0, $0xb8;
	[tilespmem:$0xC080] =	vst v63  }
0x3c: {  	_ = 	snop  }
0x3d: {  	[tilespmem:s18], [sflag:$0x1] =	stream.indirect_vreg.gather [hbm4b:s5+s2], $0x80, v3, vm0, $0xb8;
	[tilespmem:$0xC080] =	vst v63  }
0x3e: {  	v3 =	vld [tilespmem:$0x20];
	_ =	sdelay $0x4  }
0x3f: {  	v62 =	vshrl.u32 v3, $0x3  }
0x40: {  	v4 =	vmul.u32 $0x30, v62  }
0x41: {  	v3 =	vand.u32 $0x7, v3  }
0x42: {  	v3 =	vor.u32 v3, v4  }
0x43: {  	v4 =	vperm.xlane v3, v0;
	_ =	sdelay $0x1  }
0x44: {  	v4 =	vadd.s32 v1, v4;
	_ =	sdelay $0x3  }
0x45: {  	v3 =	vperm.xlane v3, v2  }
0x46: {  	[tilespmem:s19], [sflag:$0x1] =	stream.indirect_vreg.gather [hbm4b:s3+s2], $0x80, v4, vm0, $0xb8;
	[tilespmem:$0xC080] =	vst v63  }
0x47: {  	v3 =	vadd.s32 v1, v3  }
0x48: {  	[tilespmem:s20], [sflag:$0x1] =	stream.indirect_vreg.gather [hbm4b:s4+s2], $0x80, v4, vm0, $0xb8;
	[tilespmem:$0xC080] =	vst v63  }
0x49: {  	_ = 	snop  }
0x4a: {  	[tilespmem:s21], [sflag:$0x1] =	stream.indirect_vreg.gather [hbm4b:s5+s2], $0x80, v4, vm0, $0xb8;
	[tilespmem:$0xC080] =	vst v63  }
0x4b: {  	_ = 	snop  }
0x4c: {  	[tilespmem:s22], [sflag:$0x1] =	stream.indirect_vreg.gather [hbm4b:s3+s2], $0x80, v3, vm0, $0xb8;
	[tilespmem:$0xC080] =	vst v63  }
0x4d: {  	_ = 	snop  }
0x4e: {  	[tilespmem:s23], [sflag:$0x1] =	stream.indirect_vreg.gather [hbm4b:s4+s2], $0x80, v3, vm0, $0xb8;
	[tilespmem:$0xC080] =	vst v63  }
0x4f: {  	_ = 	snop  }
0x50: {  	[tilespmem:s24], [sflag:$0x1] =	stream.indirect_vreg.gather [hbm4b:s5+s2], $0x80, v3, vm0, $0xb8;
	[tilespmem:$0xC080] =	vst v63  }
0x51: {  	v3 =	vld [tilespmem:$0x30];
	_ =	sdelay $0x4  }
0x52: {  	v63 =	vshrl.u32 v3, $0x3  }
0x53: {  	v4 =	vmul.u32 $0x30, v63  }
0x54: {  	v3 =	vand.u32 $0x7, v3  }
0x55: {  	v3 =	vor.u32 v3, v4  }
0x56: {  	v4 =	vperm.xlane v3, v0;
	_ =	sdelay $0x1  }
0x57: {  	v4 =	vadd.s32 v1, v4;
	_ =	sdelay $0x3  }
0x58: {  	v3 =	vperm.xlane v3, v2  }
0x59: {  	[tilespmem:s25], [sflag:$0x1] =	stream.indirect_vreg.gather [hbm4b:s3+s2], $0x80, v4, vm0, $0xb8;
	[tilespmem:$0xC080] =	vst v63  }
0x5a: {  	v3 =	vadd.s32 v1, v3  }
0x5b: {  	[tilespmem:s26], [sflag:$0x1] =	stream.indirect_vreg.gather [hbm4b:s4+s2], $0x80, v4, vm0, $0xb8;
	[tilespmem:$0xC080] =	vst v63  }
0x5c: {  	_ = 	snop  }
0x5d: {  	[tilespmem:s28], [sflag:$0x1] =	stream.indirect_vreg.gather [hbm4b:s5+s2], $0x80, v4, vm0, $0xb8;
	[tilespmem:$0xC080] =	vst v63  }
0x5e: {  	_ = 	snop  }
0x5f: {  	[tilespmem:s29], [sflag:$0x1] =	stream.indirect_vreg.gather [hbm4b:s3+s2], $0x80, v3, vm0, $0xb8;
	[tilespmem:$0xC080] =	vst v63  }
0x60: {  	_ = 	snop  }
0x61: {  	[tilespmem:s30], [sflag:$0x1] =	stream.indirect_vreg.gather [hbm4b:s4+s2], $0x80, v3, vm0, $0xb8;
	[tilespmem:$0xC080] =	vst v63  }
0x62: {  	_ = 	snop  }
0x63: {  	[tilespmem:s31], [sflag:$0x1] =	stream.indirect_vreg.gather [hbm4b:s5+s2], $0x80, v3, vm0, $0xb8;
	[tilespmem:$0xC080] =	vst v63  }
0x64: {  	_ =	swait.ge [sflag:s0], $0xC000  }
0x65: {  	p0 =	sne.s32 s6, $0x1;
	[sflag:s0] =	ssyncset.done $0x0  }
.Ltmp0:
0x66: {  	s1 =	rddreg [dreg:$0x4];
	[sflag:s0] =	ssyncadd.s32 $0xFFFF4000;
	(pc) =	sbr.rel @p0 .LBB2_1-.Ltmp0, $4  }
0x67: {  	[hbm4b:s1+s2] =	stream.linear.scatter [tilespmem:s8], [sflag:$0x2], $0xC000, $0x38;
	[tilespmem:$0xC080] =	vst v63  }
0x68: {  	_ =	swait.ge [sflag:s7], $0xC000  }
0x69: {  	[sflag:s7] =	ssyncset.done $0x0  }
0x6a: {  	s6 =	sadd.s32 $0xFFFFFFFF, s6;
	[sflag:s7] =	ssyncadd.s32 $0xFFFF4000  }
0x6b: {  	_ =	sfence.sel $0x180000  }
0x6c: {  	[bflag:$0x0] =	sbarrier.arrive $0xFFFF  }
0x6d: {  	_ =	strace $0x9000004A  }
0x6e: {  	s0 =	stileid.u32;
	[bflag:$0x2] =	sbarrier.arrive $0xFFFF  }
0x6f: {  	p0 =	sne.s32 s0, $0x0;
	s0 =	rddreg [dreg:$0x2]  }
0x70: {  	s0 =	sadd.s32 @!p0 $0x100000, s0  }
0x71: {  	[sflag:s0] =	ssyncadd.tile.s32 @!p0 $0x1;
	_ =	shalt  }
.Lfunc_end2:
_tile_overlayer_lowered:
.L_overlay_start_2:
0x72: {  	(tag) =	ssettag $0x2  }
0x73: {  	s0 =	rddreg [dreg:$0x0];
	s2 =	stileid.u32  }
0x74: {  	s1 =	rddreg [dreg:$0x1];
	p0 =	sne.s32 s2, $0x0  }
0x75: {  	s3 =	rddreg [dreg:$0x2];
	[bflag:$0x3] =	sbarrier.arrive $0xFFFF;
	s2 =	simm.s32 @!p0 $0x1C02  }
0x76: {  	[timem:s3], [sflag:s2] =	dma.local @!p0 [hbm:s0], s1  }
0x77: {  	s0 =	simm.s32 @!p0 $0x2  }
0x78: {  	_ =	swait.ge @!p0 [sflag:s0], s1  }
0x79: {  	s1 =	ssub.s32 @!p0 $0x0, s1;
	[sflag:s0] =	ssyncset.done @!p0 $0x0  }
0x7a: {  	[sflag:s0] =	ssyncadd.s32 @!p0 s1  }
0x7b: {  	[bflag:$0x3] =	sbarrier.arrive $0xFFFF  }
0x7c: {  	_ =	shalt  }

</sc_bundles>
